<compile_context>
chip_gen: v7x
topology: tpu7x:2x2x1
jax: 0.10.2.dev20260603
libtpu: 0.0.44.dev20260713+nightly
codegen_flags: <defaults>
</compile_context>

<pallas_src>
import functools

import jax
import jax.numpy as jnp
from jax import lax
from jax.experimental import pallas as pl
from jax.experimental.pallas import tpu as pltpu
from jax.experimental.pallas import tpu_sc as plsc

VOCAB = 100000
EMB = 128
B = 1024
CTX = 20

_NC = 2
_NS = 16
_NW = _NC * _NS
_ROWS_PER_W = B // _NW
_IDX_PER_W = _ROWS_PER_W * CTX
_IDX_CHUNKS = _IDX_PER_W // 128

_VT = 4096
_NV = (VOCAB + _VT - 1) // _VT
_REM = VOCAB - (_NV - 1) * _VT


def _sc_gather_mean_body(x_hbm, tbl_hbm, out_hbm, idx_v, rows_v, acc_v, sem):
    wid = lax.axis_index("s") * _NC + lax.axis_index("c")
    pltpu.sync_copy(x_hbm.at[wid], idx_v)
    cps = [
        pltpu.async_copy(tbl_hbm.at[idx_v.at[j]],
                         rows_v.at[pl.ds(j * 128, 128)], sem)
        for j in range(_IDX_CHUNKS)
    ]
    for cp in cps:
        cp.wait()

    inv = jnp.float32(1.0 / CTX)

    def row_body(r, carry):
        base = r * CTX

        def ctx_body(c, acc):
            return tuple(acc[j] + rows_v[base + c, pl.ds(j * 16, 16)]
                         for j in range(EMB // 16))

        acc = lax.fori_loop(
            0, CTX, ctx_body,
            tuple(jnp.zeros((16,), jnp.float32) for _ in range(EMB // 16)))
        for j in range(EMB // 16):
            acc_v[r, pl.ds(j * 16, 16)] = acc[j] * inv
        return carry

    lax.fori_loop(0, _ROWS_PER_W, row_body, 0)
    pltpu.sync_copy(acc_v, out_hbm.at[pl.ds(wid * _ROWS_PER_W, _ROWS_PER_W)])


@functools.cache
def _sc_gather_mean():
    return functools.partial(
        pl.kernel,
        out_type=jax.ShapeDtypeStruct((B, EMB), jnp.float32),
        mesh=plsc.VectorSubcoreMesh(core_axis_name="c", subcore_axis_name="s"),
        scratch_types=[
            pltpu.VMEM((_IDX_CHUNKS, 128), jnp.int32),
            pltpu.VMEM((_IDX_PER_W, EMB), jnp.float32),
            pltpu.VMEM((_ROWS_PER_W, EMB), jnp.float32),
            pltpu.SemaphoreType.DMA,
        ],
    )(_sc_gather_mean_body)


def _fused_body(emb_ref, w_ref, b_ref, ones_ref, oe_ref, s_ref, e_ref):
    v = pl.program_id(0)

    @pl.when(v == 0)
    def _init():
        s_ref[...] = jnp.zeros((B, 128), jnp.float32)

    lg = lax.dot_general(
        emb_ref[...], w_ref[...], (((1,), (1,)), ((), ())),
        preferred_element_type=jnp.float32) + b_ref[...]
    e_ref[...] = jnp.exp(lg).astype(jnp.bfloat16)

    @pl.when(v == _NV - 1)
    def _mask():
        col = lax.broadcasted_iota(jnp.int32, (B, _VT), 1)
        e_ref[...] = jnp.where(col < _REM, e_ref[...], jnp.bfloat16(0))

    e16 = e_ref[...]
    oe_ref[...] = e16
    s_ref[...] += lax.dot_general(
        e16, ones_ref[...], (((1,), (0,)), ((), ())),
        preferred_element_type=jnp.float32)


def _fused_exp_denom(emb_mean, w, b2d, ones16):
    return pl.pallas_call(
        _fused_body,
        grid=(_NV,),
        in_specs=[
            pl.BlockSpec((B, EMB), lambda v: (0, 0)),
            pl.BlockSpec((_VT, EMB), lambda v: (v, 0)),
            pl.BlockSpec((1, _VT), lambda v: (0, v)),
            pl.BlockSpec((_VT, 128), lambda v: (0, 0)),
        ],
        out_specs=[
            pl.BlockSpec((B, _VT), lambda v: (0, v)),
            pl.BlockSpec((B, 128), lambda v: (0, 0)),
        ],
        out_shape=[
            jax.ShapeDtypeStruct((B, VOCAB), jnp.bfloat16),
            jax.ShapeDtypeStruct((B, 128), jnp.float32),
        ],
        scratch_shapes=[pltpu.VMEM((B, _VT), jnp.bfloat16)],
        compiler_params=pltpu.CompilerParams(
            dimension_semantics=("arbitrary",)),
    )(emb_mean, w, b2d, ones16)


def kernel(x, emb_table, W, b):
    x3d = x.astype(jnp.int32).reshape(_NW, _IDX_CHUNKS, 128)
    emb_mean = _sc_gather_mean()(x3d, emb_table)
    b2d = b.reshape(1, VOCAB)
    ones16 = jnp.ones((_VT, 128), jnp.bfloat16)
    e16, s = _fused_exp_denom(emb_mean, W, b2d, ones16)
    r = 1.0 / s[:, 0:1]
    return e16.astype(jnp.float32) * r

# --- scband reference (transcript-rebuilt; emitter-appended) ---
"""Pipeline reference for scband-cbow-35321811043109 (READ-ONLY COPY).

The authoritative reference and input builder live on the scoring server;
editing this copy changes nothing except your own understanding.
"""

import jax, jax.numpy as jnp
import numpy as np

VOCAB_SIZE = 100000
EMB_DIM = 128
BATCH = 1024
CTX = 20


def setup_inputs(seed: int = 0) -> dict:
    key = jax.random.key(seed)
    k1, k2, k3, k4 = jax.random.split(key, 4)
    x = jax.random.randint(k1, (BATCH, CTX), 0, VOCAB_SIZE, dtype=jnp.int64)
    emb_table = jax.random.normal(k2, (VOCAB_SIZE, EMB_DIM), dtype=jnp.float32) * 0.02
    W = jax.random.normal(k3, (VOCAB_SIZE, EMB_DIM), dtype=jnp.float32) * 0.02
    b = jnp.zeros((VOCAB_SIZE,), dtype=jnp.float32)
    return {"x": x, "emb_table": emb_table, "W": W, "b": b}


def reference(x, emb_table, W, b):
    # nn.Embedding lookup: gather rows of the table
    emb_x = jnp.take(emb_table, x, axis=0)          # [B, CTX, EMB_DIM]
    emb_mean = emb_x.mean(axis=1)                    # [B, EMB_DIM]
    # nn.Linear(embedding_size, vocab_size): y = x @ W^T + b
    output = emb_mean @ W.T + b                      # [B, VOCAB]
    probs = jax.nn.softmax(output, axis=1)           # Softmax(dim=1)
    return probs

if __name__ == "__main__":
    import jax
    _d = setup_inputs()
    print(jax.jit(kernel)(*tuple(_d.values())))

</pallas_src>

<mosaic_0001>
#map = affine_map<(d0, d1) -> (0, 0, 0)>
#map1 = affine_map<(d0, d1) -> (0, 0)>
module attributes {stable_mosaic.version = 14 : i64} {
  func.func @_sc_gather_mean_body(%arg0: i32, %arg1: i32, %arg2: memref<32x5x128xi32, #tpu.memory_space<hbm>>, %arg3: memref<100000x128xf32, #tpu.memory_space<hbm>>, %arg4: memref<1024x128xf32, #tpu.memory_space<hbm>>, %arg5: memref<5x128xi32, #tpu.memory_space<vmem>>, %arg6: memref<640x128xf32, #tpu.memory_space<vmem>>, %arg7: memref<32x128xf32, #tpu.memory_space<vmem>>, %arg8: memref<!tpu.dma_semaphore, #tpu.memory_space<semaphore_mem>>) attributes {dimension_semantics = [#tpu.dimension_semantics<core_parallel>, #tpu.dimension_semantics<subcore_parallel>], iteration_bounds = array<i64: 2, 16>, scalar_prefetch = 0 : i64, scratch_operands = 4 : i64, tpu.core_type = #tpu.core_type<sc_vector_subcore>, window_params = [{transform_indices = #map}, {transform_indices = #map1}, {transform_indices = #map1}]} {
    %mul3A = arith.constant 2 : i32
    %mul3A_0 = arith.muli %arg1, %mul3A : i32
    %add3A = arith.addi %mul3A_0, %arg0 : i32
    "tpu.region"() ({
      %run_scoped3A = tpu.sem_alloc : memref<!tpu.dma_semaphore, #tpu.memory_space<semaphore_mem>>
      %dma_start3A_107 = arith.constant 0 : i32
      %dma_start3A_108 = arith.constant 0 : i32
      %dma_start3A_109 = tpu.memref_slice %arg2[%add3A, %dma_start3A_107, %dma_start3A_108] : memref<32x5x128xi32, #tpu.memory_space<hbm>> -> memref<1x5x128xi32, #tpu.memory_space<hbm>>
      %dma_start3A_110 = tpu.memref_squeeze %dma_start3A_109 : memref<1x5x128xi32, #tpu.memory_space<hbm>> -> memref<5x128xi32, #tpu.memory_space<hbm>>
      %dma_start3A_111 = arith.constant 0 : i32
      %dma_start3A_112 = arith.constant 0 : i32
      %dma_start3A_113 = tpu.memref_slice %arg2[%add3A, %dma_start3A_111, %dma_start3A_112] : memref<32x5x128xi32, #tpu.memory_space<hbm>> -> memref<1x5x128xi32, #tpu.memory_space<hbm>>
      %dma_start3A_114 = tpu.memref_squeeze %dma_start3A_113 : memref<1x5x128xi32, #tpu.memory_space<hbm>> -> memref<5x128xi32, #tpu.memory_space<hbm>>
      tpu.enqueue_dma source(%dma_start3A_114 : memref<5x128xi32, #tpu.memory_space<hbm>>) target(%arg5 : memref<5x128xi32, #tpu.memory_space<vmem>>) target_semaphore(%run_scoped3A : memref<!tpu.dma_semaphore, #tpu.memory_space<semaphore_mem>>)
      %dma_wait3A_115 = arith.constant 0 : i32
      %dma_wait3A_116 = arith.constant 0 : i32
      %dma_wait3A_117 = tpu.memref_slice %arg2[%add3A, %dma_wait3A_115, %dma_wait3A_116] : memref<32x5x128xi32, #tpu.memory_space<hbm>> -> memref<1x5x128xi32, #tpu.memory_space<hbm>>
      %dma_wait3A_118 = tpu.memref_squeeze %dma_wait3A_117 : memref<1x5x128xi32, #tpu.memory_space<hbm>> -> memref<5x128xi32, #tpu.memory_space<hbm>>
      %dma_wait3A_119 = arith.constant 0 : i32
      %dma_wait3A_120 = arith.constant 0 : i32
      %dma_wait3A_121 = tpu.memref_slice %arg2[%add3A, %dma_wait3A_119, %dma_wait3A_120] : memref<32x5x128xi32, #tpu.memory_space<hbm>> -> memref<1x5x128xi32, #tpu.memory_space<hbm>>
      %dma_wait3A_122 = tpu.memref_squeeze %dma_wait3A_121 : memref<1x5x128xi32, #tpu.memory_space<hbm>> -> memref<5x128xi32, #tpu.memory_space<hbm>>
      tpu.wait_dma2 semaphore(%run_scoped3A : memref<!tpu.dma_semaphore, #tpu.memory_space<semaphore_mem>>) src(%dma_wait3A_122 : memref<5x128xi32, #tpu.memory_space<hbm>>) dst(%arg5 : memref<5x128xi32, #tpu.memory_space<vmem>>)
      tpu.yield
    }) : () -> ()
    %dma_start3A = arith.constant 0 : i32
    %dma_start3A_1 = arith.constant 0 : i32
    %dma_start3A_2 = arith.constant 0 : i32
    %dma_start3A_3 = tpu.memref_slice %arg6[%dma_start3A_1, %dma_start3A_2] : memref<640x128xf32, #tpu.memory_space<vmem>> -> memref<128x128xf32, #tpu.memory_space<vmem>>
    %dma_start3A_4 = arith.constant 0 : i32
    %dma_start3A_5 = tpu.memref_slice %arg5[%dma_start3A, %dma_start3A_4] : memref<5x128xi32, #tpu.memory_space<vmem>> -> memref<1x128xi32, #tpu.memory_space<vmem>>
    %dma_start3A_6 = tpu.memref_squeeze %dma_start3A_5 : memref<1x128xi32, #tpu.memory_space<vmem>> -> memref<128xi32, #tpu.memory_space<vmem>>
    %dma_start3A_7 = arith.constant 0 : i32
    %dma_start3A_8 = arith.constant 0 : i32
    %dma_start3A_9 = tpu.memref_slice %arg3[%dma_start3A_7, %dma_start3A_8] : memref<100000x128xf32, #tpu.memory_space<hbm>> -> memref<100000x128xf32, #tpu.memory_space<hbm>>
    tpu.enqueue_indirect_dma source(%dma_start3A_9 : memref<100000x128xf32, #tpu.memory_space<hbm>>) target(%dma_start3A_3 : memref<128x128xf32, #tpu.memory_space<vmem>>) offsets(%dma_start3A_6 : memref<128xi32, #tpu.memory_space<vmem>>) semaphore(%arg8 : memref<!tpu.dma_semaphore, #tpu.memory_space<semaphore_mem>>)
    %dma_start3A_10 = arith.constant 1 : i32
    %dma_start3A_11 = arith.constant 128 : i32
    %dma_start3A_12 = arith.constant 0 : i32
    %dma_start3A_13 = tpu.memref_slice %arg6[%dma_start3A_11, %dma_start3A_12] : memref<640x128xf32, #tpu.memory_space<vmem>> -> memref<128x128xf32, #tpu.memory_space<vmem>>
    %dma_start3A_14 = arith.constant 0 : i32
    %dma_start3A_15 = tpu.memref_slice %arg5[%dma_start3A_10, %dma_start3A_14] : memref<5x128xi32, #tpu.memory_space<vmem>> -> memref<1x128xi32, #tpu.memory_space<vmem>>
    %dma_start3A_16 = tpu.memref_squeeze %dma_start3A_15 : memref<1x128xi32, #tpu.memory_space<vmem>> -> memref<128xi32, #tpu.memory_space<vmem>>
    %dma_start3A_17 = arith.constant 0 : i32
    %dma_start3A_18 = arith.constant 0 : i32
    %dma_start3A_19 = tpu.memref_slice %arg3[%dma_start3A_17, %dma_start3A_18] : memref<100000x128xf32, #tpu.memory_space<hbm>> -> memref<100000x128xf32, #tpu.memory_space<hbm>>
    tpu.enqueue_indirect_dma source(%dma_start3A_19 : memref<100000x128xf32, #tpu.memory_space<hbm>>) target(%dma_start3A_13 : memref<128x128xf32, #tpu.memory_space<vmem>>) offsets(%dma_start3A_16 : memref<128xi32, #tpu.memory_space<vmem>>) semaphore(%arg8 : memref<!tpu.dma_semaphore, #tpu.memory_space<semaphore_mem>>)
    %dma_start3A_20 = arith.constant 2 : i32
    %dma_start3A_21 = arith.constant 256 : i32
    %dma_start3A_22 = arith.constant 0 : i32
    %dma_start3A_23 = tpu.memref_slice %arg6[%dma_start3A_21, %dma_start3A_22] : memref<640x128xf32, #tpu.memory_space<vmem>> -> memref<128x128xf32, #tpu.memory_space<vmem>>
    %dma_start3A_24 = arith.constant 0 : i32
    %dma_start3A_25 = tpu.memref_slice %arg5[%dma_start3A_20, %dma_start3A_24] : memref<5x128xi32, #tpu.memory_space<vmem>> -> memref<1x128xi32, #tpu.memory_space<vmem>>
    %dma_start3A_26 = tpu.memref_squeeze %dma_start3A_25 : memref<1x128xi32, #tpu.memory_space<vmem>> -> memref<128xi32, #tpu.memory_space<vmem>>
    %dma_start3A_27 = arith.constant 0 : i32
    %dma_start3A_28 = arith.constant 0 : i32
    %dma_start3A_29 = tpu.memref_slice %arg3[%dma_start3A_27, %dma_start3A_28] : memref<100000x128xf32, #tpu.memory_space<hbm>> -> memref<100000x128xf32, #tpu.memory_space<hbm>>
    tpu.enqueue_indirect_dma source(%dma_start3A_29 : memref<100000x128xf32, #tpu.memory_space<hbm>>) target(%dma_start3A_23 : memref<128x128xf32, #tpu.memory_space<vmem>>) offsets(%dma_start3A_26 : memref<128xi32, #tpu.memory_space<vmem>>) semaphore(%arg8 : memref<!tpu.dma_semaphore, #tpu.memory_space<semaphore_mem>>)
    %dma_start3A_30 = arith.constant 3 : i32
    %dma_start3A_31 = arith.constant 384 : i32
    %dma_start3A_32 = arith.constant 0 : i32
    %dma_start3A_33 = tpu.memref_slice %arg6[%dma_start3A_31, %dma_start3A_32] : memref<640x128xf32, #tpu.memory_space<vmem>> -> memref<128x128xf32, #tpu.memory_space<vmem>>
    %dma_start3A_34 = arith.constant 0 : i32
    %dma_start3A_35 = tpu.memref_slice %arg5[%dma_start3A_30, %dma_start3A_34] : memref<5x128xi32, #tpu.memory_space<vmem>> -> memref<1x128xi32, #tpu.memory_space<vmem>>
    %dma_start3A_36 = tpu.memref_squeeze %dma_start3A_35 : memref<1x128xi32, #tpu.memory_space<vmem>> -> memref<128xi32, #tpu.memory_space<vmem>>
    %dma_start3A_37 = arith.constant 0 : i32
    %dma_start3A_38 = arith.constant 0 : i32
    %dma_start3A_39 = tpu.memref_slice %arg3[%dma_start3A_37, %dma_start3A_38] : memref<100000x128xf32, #tpu.memory_space<hbm>> -> memref<100000x128xf32, #tpu.memory_space<hbm>>
    tpu.enqueue_indirect_dma source(%dma_start3A_39 : memref<100000x128xf32, #tpu.memory_space<hbm>>) target(%dma_start3A_33 : memref<128x128xf32, #tpu.memory_space<vmem>>) offsets(%dma_start3A_36 : memref<128xi32, #tpu.memory_space<vmem>>) semaphore(%arg8 : memref<!tpu.dma_semaphore, #tpu.memory_space<semaphore_mem>>)
    %dma_start3A_40 = arith.constant 4 : i32
    %dma_start3A_41 = arith.constant 512 : i32
    %dma_start3A_42 = arith.constant 0 : i32
    %dma_start3A_43 = tpu.memref_slice %arg6[%dma_start3A_41, %dma_start3A_42] : memref<640x128xf32, #tpu.memory_space<vmem>> -> memref<128x128xf32, #tpu.memory_space<vmem>>
    %dma_start3A_44 = arith.constant 0 : i32
    %dma_start3A_45 = tpu.memref_slice %arg5[%dma_start3A_40, %dma_start3A_44] : memref<5x128xi32, #tpu.memory_space<vmem>> -> memref<1x128xi32, #tpu.memory_space<vmem>>
    %dma_start3A_46 = tpu.memref_squeeze %dma_start3A_45 : memref<1x128xi32, #tpu.memory_space<vmem>> -> memref<128xi32, #tpu.memory_space<vmem>>
    %dma_start3A_47 = arith.constant 0 : i32
    %dma_start3A_48 = arith.constant 0 : i32
    %dma_start3A_49 = tpu.memref_slice %arg3[%dma_start3A_47, %dma_start3A_48] : memref<100000x128xf32, #tpu.memory_space<hbm>> -> memref<100000x128xf32, #tpu.memory_space<hbm>>
    tpu.enqueue_indirect_dma source(%dma_start3A_49 : memref<100000x128xf32, #tpu.memory_space<hbm>>) target(%dma_start3A_43 : memref<128x128xf32, #tpu.memory_space<vmem>>) offsets(%dma_start3A_46 : memref<128xi32, #tpu.memory_space<vmem>>) semaphore(%arg8 : memref<!tpu.dma_semaphore, #tpu.memory_space<semaphore_mem>>)
    %dma_wait3A = arith.constant 0 : i32
    %dma_wait3A_50 = arith.constant 0 : i32
    %dma_wait3A_51 = arith.constant 0 : i32
    %dma_wait3A_52 = tpu.memref_slice %arg6[%dma_wait3A_50, %dma_wait3A_51] : memref<640x128xf32, #tpu.memory_space<vmem>> -> memref<128x128xf32, #tpu.memory_space<vmem>>
    %dma_wait3A_53 = arith.constant 0 : i32
    %dma_wait3A_54 = tpu.memref_slice %arg5[%dma_wait3A, %dma_wait3A_53] : memref<5x128xi32, #tpu.memory_space<vmem>> -> memref<1x128xi32, #tpu.memory_space<vmem>>
    %dma_wait3A_55 = tpu.memref_squeeze %dma_wait3A_54 : memref<1x128xi32, #tpu.memory_space<vmem>> -> memref<128xi32, #tpu.memory_space<vmem>>
    %dma_wait3A_56 = arith.constant 0 : i32
    %dma_wait3A_57 = arith.constant 0 : i32
    %dma_wait3A_58 = tpu.memref_slice %arg3[%dma_wait3A_56, %dma_wait3A_57] : memref<100000x128xf32, #tpu.memory_space<hbm>> -> memref<100000x128xf32, #tpu.memory_space<hbm>>
    tpu.wait_indirect_dma semaphore(%arg8 : memref<!tpu.dma_semaphore, #tpu.memory_space<semaphore_mem>>) src(%dma_wait3A_58 : memref<100000x128xf32, #tpu.memory_space<hbm>>) dst(%dma_wait3A_52 : memref<128x128xf32, #tpu.memory_space<vmem>>)
    %dma_wait3A_59 = arith.constant 1 : i32
    %dma_wait3A_60 = arith.constant 128 : i32
    %dma_wait3A_61 = arith.constant 0 : i32
    %dma_wait3A_62 = tpu.memref_slice %arg6[%dma_wait3A_60, %dma_wait3A_61] : memref<640x128xf32, #tpu.memory_space<vmem>> -> memref<128x128xf32, #tpu.memory_space<vmem>>
    %dma_wait3A_63 = arith.constant 0 : i32
    %dma_wait3A_64 = tpu.memref_slice %arg5[%dma_wait3A_59, %dma_wait3A_63] : memref<5x128xi32, #tpu.memory_space<vmem>> -> memref<1x128xi32, #tpu.memory_space<vmem>>
    %dma_wait3A_65 = tpu.memref_squeeze %dma_wait3A_64 : memref<1x128xi32, #tpu.memory_space<vmem>> -> memref<128xi32, #tpu.memory_space<vmem>>
    %dma_wait3A_66 = arith.constant 0 : i32
    %dma_wait3A_67 = arith.constant 0 : i32
    %dma_wait3A_68 = tpu.memref_slice %arg3[%dma_wait3A_66, %dma_wait3A_67] : memref<100000x128xf32, #tpu.memory_space<hbm>> -> memref<100000x128xf32, #tpu.memory_space<hbm>>
    tpu.wait_indirect_dma semaphore(%arg8 : memref<!tpu.dma_semaphore, #tpu.memory_space<semaphore_mem>>) src(%dma_wait3A_68 : memref<100000x128xf32, #tpu.memory_space<hbm>>) dst(%dma_wait3A_62 : memref<128x128xf32, #tpu.memory_space<vmem>>)
    %dma_wait3A_69 = arith.constant 2 : i32
    %dma_wait3A_70 = arith.constant 256 : i32
    %dma_wait3A_71 = arith.constant 0 : i32
    %dma_wait3A_72 = tpu.memref_slice %arg6[%dma_wait3A_70, %dma_wait3A_71] : memref<640x128xf32, #tpu.memory_space<vmem>> -> memref<128x128xf32, #tpu.memory_space<vmem>>
    %dma_wait3A_73 = arith.constant 0 : i32
    %dma_wait3A_74 = tpu.memref_slice %arg5[%dma_wait3A_69, %dma_wait3A_73] : memref<5x128xi32, #tpu.memory_space<vmem>> -> memref<1x128xi32, #tpu.memory_space<vmem>>
    %dma_wait3A_75 = tpu.memref_squeeze %dma_wait3A_74 : memref<1x128xi32, #tpu.memory_space<vmem>> -> memref<128xi32, #tpu.memory_space<vmem>>
    %dma_wait3A_76 = arith.constant 0 : i32
    %dma_wait3A_77 = arith.constant 0 : i32
    %dma_wait3A_78 = tpu.memref_slice %arg3[%dma_wait3A_76, %dma_wait3A_77] : memref<100000x128xf32, #tpu.memory_space<hbm>> -> memref<100000x128xf32, #tpu.memory_space<hbm>>
    tpu.wait_indirect_dma semaphore(%arg8 : memref<!tpu.dma_semaphore, #tpu.memory_space<semaphore_mem>>) src(%dma_wait3A_78 : memref<100000x128xf32, #tpu.memory_space<hbm>>) dst(%dma_wait3A_72 : memref<128x128xf32, #tpu.memory_space<vmem>>)
    %dma_wait3A_79 = arith.constant 3 : i32
    %dma_wait3A_80 = arith.constant 384 : i32
    %dma_wait3A_81 = arith.constant 0 : i32
    %dma_wait3A_82 = tpu.memref_slice %arg6[%dma_wait3A_80, %dma_wait3A_81] : memref<640x128xf32, #tpu.memory_space<vmem>> -> memref<128x128xf32, #tpu.memory_space<vmem>>
    %dma_wait3A_83 = arith.constant 0 : i32
    %dma_wait3A_84 = tpu.memref_slice %arg5[%dma_wait3A_79, %dma_wait3A_83] : memref<5x128xi32, #tpu.memory_space<vmem>> -> memref<1x128xi32, #tpu.memory_space<vmem>>
    %dma_wait3A_85 = tpu.memref_squeeze %dma_wait3A_84 : memref<1x128xi32, #tpu.memory_space<vmem>> -> memref<128xi32, #tpu.memory_space<vmem>>
    %dma_wait3A_86 = arith.constant 0 : i32
    %dma_wait3A_87 = arith.constant 0 : i32
    %dma_wait3A_88 = tpu.memref_slice %arg3[%dma_wait3A_86, %dma_wait3A_87] : memref<100000x128xf32, #tpu.memory_space<hbm>> -> memref<100000x128xf32, #tpu.memory_space<hbm>>
    tpu.wait_indirect_dma semaphore(%arg8 : memref<!tpu.dma_semaphore, #tpu.memory_space<semaphore_mem>>) src(%dma_wait3A_88 : memref<100000x128xf32, #tpu.memory_space<hbm>>) dst(%dma_wait3A_82 : memref<128x128xf32, #tpu.memory_space<vmem>>)
    %dma_wait3A_89 = arith.constant 4 : i32
    %dma_wait3A_90 = arith.constant 512 : i32
    %dma_wait3A_91 = arith.constant 0 : i32
    %dma_wait3A_92 = tpu.memref_slice %arg6[%dma_wait3A_90, %dma_wait3A_91] : memref<640x128xf32, #tpu.memory_space<vmem>> -> memref<128x128xf32, #tpu.memory_space<vmem>>
    %dma_wait3A_93 = arith.constant 0 : i32
    %dma_wait3A_94 = tpu.memref_slice %arg5[%dma_wait3A_89, %dma_wait3A_93] : memref<5x128xi32, #tpu.memory_space<vmem>> -> memref<1x128xi32, #tpu.memory_space<vmem>>
    %dma_wait3A_95 = tpu.memref_squeeze %dma_wait3A_94 : memref<1x128xi32, #tpu.memory_space<vmem>> -> memref<128xi32, #tpu.memory_space<vmem>>
    %dma_wait3A_96 = arith.constant 0 : i32
    %dma_wait3A_97 = arith.constant 0 : i32
    %dma_wait3A_98 = tpu.memref_slice %arg3[%dma_wait3A_96, %dma_wait3A_97] : memref<100000x128xf32, #tpu.memory_space<hbm>> -> memref<100000x128xf32, #tpu.memory_space<hbm>>
    tpu.wait_indirect_dma semaphore(%arg8 : memref<!tpu.dma_semaphore, #tpu.memory_space<semaphore_mem>>) src(%dma_wait3A_98 : memref<100000x128xf32, #tpu.memory_space<hbm>>) dst(%dma_wait3A_92 : memref<128x128xf32, #tpu.memory_space<vmem>>)
    %scan3A = arith.constant 0 : i32
    %scan3A_99 = arith.constant 5.000000e-02 : f32
    %scan3A_100 = arith.constant 0 : i32
    %scan3A_101 = arith.constant 32 : i32
    %scan3A_102 = arith.addi %scan3A_100, %scan3A_101 : i32
    %scan3A_103 = arith.constant 1 : i32
    scf.for %scan3A_107 = %scan3A_100 to %scan3A_102 step %scan3A_103  : i32 {
      %mul3A_108 = arith.constant 20 : i32
      %mul3A_109 = arith.muli %scan3A_107, %mul3A_108 : i32
      %broadcast_in_dim3A = arith.constant 0.000000e+00 : f32
      %broadcast_in_dim3A_110 = vector.broadcast %broadcast_in_dim3A : f32 to vector<16xf32>
      %broadcast_in_dim3A_111 = arith.constant 0.000000e+00 : f32
      %broadcast_in_dim3A_112 = vector.broadcast %broadcast_in_dim3A_111 : f32 to vector<16xf32>
      %broadcast_in_dim3A_113 = arith.constant 0.000000e+00 : f32
      %broadcast_in_dim3A_114 = vector.broadcast %broadcast_in_dim3A_113 : f32 to vector<16xf32>
      %broadcast_in_dim3A_115 = arith.constant 0.000000e+00 : f32
      %broadcast_in_dim3A_116 = vector.broadcast %broadcast_in_dim3A_115 : f32 to vector<16xf32>
      %broadcast_in_dim3A_117 = arith.constant 0.000000e+00 : f32
      %broadcast_in_dim3A_118 = vector.broadcast %broadcast_in_dim3A_117 : f32 to vector<16xf32>
      %broadcast_in_dim3A_119 = arith.constant 0.000000e+00 : f32
      %broadcast_in_dim3A_120 = vector.broadcast %broadcast_in_dim3A_119 : f32 to vector<16xf32>
      %broadcast_in_dim3A_121 = arith.constant 0.000000e+00 : f32
      %broadcast_in_dim3A_122 = vector.broadcast %broadcast_in_dim3A_121 : f32 to vector<16xf32>
      %broadcast_in_dim3A_123 = arith.constant 0.000000e+00 : f32
      %broadcast_in_dim3A_124 = vector.broadcast %broadcast_in_dim3A_123 : f32 to vector<16xf32>
      %scan3A_125 = arith.constant 0 : i32
      %scan3A_126 = arith.constant 20 : i32
      %scan3A_127 = arith.addi %scan3A_125, %scan3A_126 : i32
      %scan3A_128 = arith.constant 1 : i32
      %scan3A_129:8 = scf.for %scan3A_186 = %scan3A_125 to %scan3A_127 step %scan3A_128 iter_args(%scan3A_187 = %broadcast_in_dim3A_110, %scan3A_188 = %broadcast_in_dim3A_112, %scan3A_189 = %broadcast_in_dim3A_114, %scan3A_190 = %broadcast_in_dim3A_116, %scan3A_191 = %broadcast_in_dim3A_118, %scan3A_192 = %broadcast_in_dim3A_120, %scan3A_193 = %broadcast_in_dim3A_122, %scan3A_194 = %broadcast_in_dim3A_124) -> (vector<16xf32>, vector<16xf32>, vector<16xf32>, vector<16xf32>, vector<16xf32>, vector<16xf32>, vector<16xf32>, vector<16xf32>)  : i32 {
        %add3A_195 = arith.addi %mul3A_109, %scan3A_186 : i32
        %get3A = arith.index_cast %add3A_195 : i32 to index
        %get3A_196 = arith.constant 0 : index
        %get3A_197 = tpu.vector_load %arg6[%get3A, %get3A_196] {strides = array<i32>} : memref<640x128xf32, #tpu.memory_space<vmem>>, vector<1x16xf32>,
        %get3A_198 = vector.shape_cast %get3A_197 : vector<1x16xf32> to vector<16xf32>
        %add3A_199 = arith.addf %scan3A_187, %get3A_198 : vector<16xf32>
        %add3A_200 = arith.addi %mul3A_109, %scan3A_186 : i32
        %get3A_201 = arith.index_cast %add3A_200 : i32 to index
        %get3A_202 = arith.constant 16 : index
        %get3A_203 = tpu.vector_load %arg6[%get3A_201, %get3A_202] {strides = array<i32>} : memref<640x128xf32, #tpu.memory_space<vmem>>, vector<1x16xf32>,
        %get3A_204 = vector.shape_cast %get3A_203 : vector<1x16xf32> to vector<16xf32>
        %add3A_205 = arith.addf %scan3A_188, %get3A_204 : vector<16xf32>
        %add3A_206 = arith.addi %mul3A_109, %scan3A_186 : i32
        %get3A_207 = arith.index_cast %add3A_206 : i32 to index
        %get3A_208 = arith.constant 32 : index
        %get3A_209 = tpu.vector_load %arg6[%get3A_207, %get3A_208] {strides = array<i32>} : memref<640x128xf32, #tpu.memory_space<vmem>>, vector<1x16xf32>,
        %get3A_210 = vector.shape_cast %get3A_209 : vector<1x16xf32> to vector<16xf32>
        %add3A_211 = arith.addf %scan3A_189, %get3A_210 : vector<16xf32>
        %add3A_212 = arith.addi %mul3A_109, %scan3A_186 : i32
        %get3A_213 = arith.index_cast %add3A_212 : i32 to index
        %get3A_214 = arith.constant 48 : index
        %get3A_215 = tpu.vector_load %arg6[%get3A_213, %get3A_214] {strides = array<i32>} : memref<640x128xf32, #tpu.memory_space<vmem>>, vector<1x16xf32>,
        %get3A_216 = vector.shape_cast %get3A_215 : vector<1x16xf32> to vector<16xf32>
        %add3A_217 = arith.addf %scan3A_190, %get3A_216 : vector<16xf32>
        %add3A_218 = arith.addi %mul3A_109, %scan3A_186 : i32
        %get3A_219 = arith.index_cast %add3A_218 : i32 to index
        %get3A_220 = arith.constant 64 : index
        %get3A_221 = tpu.vector_load %arg6[%get3A_219, %get3A_220] {strides = array<i32>} : memref<640x128xf32, #tpu.memory_space<vmem>>, vector<1x16xf32>,
        %get3A_222 = vector.shape_cast %get3A_221 : vector<1x16xf32> to vector<16xf32>
        %add3A_223 = arith.addf %scan3A_191, %get3A_222 : vector<16xf32>
        %add3A_224 = arith.addi %mul3A_109, %scan3A_186 : i32
        %get3A_225 = arith.index_cast %add3A_224 : i32 to index
        %get3A_226 = arith.constant 80 : index
        %get3A_227 = tpu.vector_load %arg6[%get3A_225, %get3A_226] {strides = array<i32>} : memref<640x128xf32, #tpu.memory_space<vmem>>, vector<1x16xf32>,
        %get3A_228 = vector.shape_cast %get3A_227 : vector<1x16xf32> to vector<16xf32>
        %add3A_229 = arith.addf %scan3A_192, %get3A_228 : vector<16xf32>
        %add3A_230 = arith.addi %mul3A_109, %scan3A_186 : i32
        %get3A_231 = arith.index_cast %add3A_230 : i32 to index
        %get3A_232 = arith.constant 96 : index
        %get3A_233 = tpu.vector_load %arg6[%get3A_231, %get3A_232] {strides = array<i32>} : memref<640x128xf32, #tpu.memory_space<vmem>>, vector<1x16xf32>,
        %get3A_234 = vector.shape_cast %get3A_233 : vector<1x16xf32> to vector<16xf32>
        %add3A_235 = arith.addf %scan3A_193, %get3A_234 : vector<16xf32>
        %add3A_236 = arith.addi %mul3A_109, %scan3A_186 : i32
        %get3A_237 = arith.index_cast %add3A_236 : i32 to index
        %get3A_238 = arith.constant 112 : index
        %get3A_239 = tpu.vector_load %arg6[%get3A_237, %get3A_238] {strides = array<i32>} : memref<640x128xf32, #tpu.memory_space<vmem>>, vector<1x16xf32>,
        %get3A_240 = vector.shape_cast %get3A_239 : vector<1x16xf32> to vector<16xf32>
        %add3A_241 = arith.addf %scan3A_194, %get3A_240 : vector<16xf32>
        scf.yield %add3A_199, %add3A_205, %add3A_211, %add3A_217, %add3A_223, %add3A_229, %add3A_235, %add3A_241 : vector<16xf32>, vector<16xf32>, vector<16xf32>, vector<16xf32>, vector<16xf32>, vector<16xf32>, vector<16xf32>, vector<16xf32>
      }
      %scan3A_130 = arith.constant 20 : i32
      %mul3A_131 = vector.broadcast %scan3A_99 : f32 to vector<16xf32>
      %mul3A_132 = arith.mulf %scan3A_129#0, %mul3A_131 : vector<16xf32>
      %swap3A = arith.index_cast %scan3A_107 : i32 to index
      %swap3A_133 = arith.constant 0 : index
      %swap3A_134 = tpu.vector_load %arg7[%swap3A, %swap3A_133] {strides = array<i32>} : memref<32x128xf32, #tpu.memory_space<vmem>>, vector<1x16xf32>,
      %swap3A_135 = vector.shape_cast %swap3A_134 : vector<1x16xf32> to vector<16xf32>
      %swap3A_136 = vector.shape_cast %mul3A_132 : vector<16xf32> to vector<1x16xf32>
      tpu.vector_store %arg7[%swap3A, %swap3A_133], %swap3A_136 {strides = array<i32>} : memref<32x128xf32, #tpu.memory_space<vmem>>, vector<1x16xf32>,
      %mul3A_137 = vector.broadcast %scan3A_99 : f32 to vector<16xf32>
      %mul3A_138 = arith.mulf %scan3A_129#1, %mul3A_137 : vector<16xf32>
      %swap3A_139 = arith.index_cast %scan3A_107 : i32 to index
      %swap3A_140 = arith.constant 16 : index
      %swap3A_141 = tpu.vector_load %arg7[%swap3A_139, %swap3A_140] {strides = array<i32>} : memref<32x128xf32, #tpu.memory_space<vmem>>, vector<1x16xf32>,
      %swap3A_142 = vector.shape_cast %swap3A_141 : vector<1x16xf32> to vector<16xf32>
      %swap3A_143 = vector.shape_cast %mul3A_138 : vector<16xf32> to vector<1x16xf32>
      tpu.vector_store %arg7[%swap3A_139, %swap3A_140], %swap3A_143 {strides = array<i32>} : memref<32x128xf32, #tpu.memory_space<vmem>>, vector<1x16xf32>,
      %mul3A_144 = vector.broadcast %scan3A_99 : f32 to vector<16xf32>
      %mul3A_145 = arith.mulf %scan3A_129#2, %mul3A_144 : vector<16xf32>
      %swap3A_146 = arith.index_cast %scan3A_107 : i32 to index
      %swap3A_147 = arith.constant 32 : index
      %swap3A_148 = tpu.vector_load %arg7[%swap3A_146, %swap3A_147] {strides = array<i32>} : memref<32x128xf32, #tpu.memory_space<vmem>>, vector<1x16xf32>,
      %swap3A_149 = vector.shape_cast %swap3A_148 : vector<1x16xf32> to vector<16xf32>
      %swap3A_150 = vector.shape_cast %mul3A_145 : vector<16xf32> to vector<1x16xf32>
      tpu.vector_store %arg7[%swap3A_146, %swap3A_147], %swap3A_150 {strides = array<i32>} : memref<32x128xf32, #tpu.memory_space<vmem>>, vector<1x16xf32>,
      %mul3A_151 = vector.broadcast %scan3A_99 : f32 to vector<16xf32>
      %mul3A_152 = arith.mulf %scan3A_129#3, %mul3A_151 : vector<16xf32>
      %swap3A_153 = arith.index_cast %scan3A_107 : i32 to index
      %swap3A_154 = arith.constant 48 : index
      %swap3A_155 = tpu.vector_load %arg7[%swap3A_153, %swap3A_154] {strides = array<i32>} : memref<32x128xf32, #tpu.memory_space<vmem>>, vector<1x16xf32>,
      %swap3A_156 = vector.shape_cast %swap3A_155 : vector<1x16xf32> to vector<16xf32>
      %swap3A_157 = vector.shape_cast %mul3A_152 : vector<16xf32> to vector<1x16xf32>
      tpu.vector_store %arg7[%swap3A_153, %swap3A_154], %swap3A_157 {strides = array<i32>} : memref<32x128xf32, #tpu.memory_space<vmem>>, vector<1x16xf32>,
      %mul3A_158 = vector.broadcast %scan3A_99 : f32 to vector<16xf32>
      %mul3A_159 = arith.mulf %scan3A_129#4, %mul3A_158 : vector<16xf32>
      %swap3A_160 = arith.index_cast %scan3A_107 : i32 to index
      %swap3A_161 = arith.constant 64 : index
      %swap3A_162 = tpu.vector_load %arg7[%swap3A_160, %swap3A_161] {strides = array<i32>} : memref<32x128xf32, #tpu.memory_space<vmem>>, vector<1x16xf32>,
      %swap3A_163 = vector.shape_cast %swap3A_162 : vector<1x16xf32> to vector<16xf32>
      %swap3A_164 = vector.shape_cast %mul3A_159 : vector<16xf32> to vector<1x16xf32>
      tpu.vector_store %arg7[%swap3A_160, %swap3A_161], %swap3A_164 {strides = array<i32>} : memref<32x128xf32, #tpu.memory_space<vmem>>, vector<1x16xf32>,
      %mul3A_165 = vector.broadcast %scan3A_99 : f32 to vector<16xf32>
      %mul3A_166 = arith.mulf %scan3A_129#5, %mul3A_165 : vector<16xf32>
      %swap3A_167 = arith.index_cast %scan3A_107 : i32 to index
      %swap3A_168 = arith.constant 80 : index
      %swap3A_169 = tpu.vector_load %arg7[%swap3A_167, %swap3A_168] {strides = array<i32>} : memref<32x128xf32, #tpu.memory_space<vmem>>, vector<1x16xf32>,
      %swap3A_170 = vector.shape_cast %swap3A_169 : vector<1x16xf32> to vector<16xf32>
      %swap3A_171 = vector.shape_cast %mul3A_166 : vector<16xf32> to vector<1x16xf32>
      tpu.vector_store %arg7[%swap3A_167, %swap3A_168], %swap3A_171 {strides = array<i32>} : memref<32x128xf32, #tpu.memory_space<vmem>>, vector<1x16xf32>,
      %mul3A_172 = vector.broadcast %scan3A_99 : f32 to vector<16xf32>
      %mul3A_173 = arith.mulf %scan3A_129#6, %mul3A_172 : vector<16xf32>
      %swap3A_174 = arith.index_cast %scan3A_107 : i32 to index
      %swap3A_175 = arith.constant 96 : index
      %swap3A_176 = tpu.vector_load %arg7[%swap3A_174, %swap3A_175] {strides = array<i32>} : memref<32x128xf32, #tpu.memory_space<vmem>>, vector<1x16xf32>,
      %swap3A_177 = vector.shape_cast %swap3A_176 : vector<1x16xf32> to vector<16xf32>
      %swap3A_178 = vector.shape_cast %mul3A_173 : vector<16xf32> to vector<1x16xf32>
      tpu.vector_store %arg7[%swap3A_174, %swap3A_175], %swap3A_178 {strides = array<i32>} : memref<32x128xf32, #tpu.memory_space<vmem>>, vector<1x16xf32>,
      %mul3A_179 = vector.broadcast %scan3A_99 : f32 to vector<16xf32>
      %mul3A_180 = arith.mulf %scan3A_129#7, %mul3A_179 : vector<16xf32>
      %swap3A_181 = arith.index_cast %scan3A_107 : i32 to index
      %swap3A_182 = arith.constant 112 : index
      %swap3A_183 = tpu.vector_load %arg7[%swap3A_181, %swap3A_182] {strides = array<i32>} : memref<32x128xf32, #tpu.memory_space<vmem>>, vector<1x16xf32>,
      %swap3A_184 = vector.shape_cast %swap3A_183 : vector<1x16xf32> to vector<16xf32>
      %swap3A_185 = vector.shape_cast %mul3A_180 : vector<16xf32> to vector<1x16xf32>
      tpu.vector_store %arg7[%swap3A_181, %swap3A_182], %swap3A_185 {strides = array<i32>} : memref<32x128xf32, #tpu.memory_space<vmem>>, vector<1x16xf32>,
    }
    %scan3A_104 = arith.constant 32 : i32
    %mul3A_105 = arith.constant 32 : i32
    %mul3A_106 = arith.muli %add3A, %mul3A_105 : i32
    "tpu.region"() ({
      %run_scoped3A = tpu.sem_alloc : memref<!tpu.dma_semaphore, #tpu.memory_space<semaphore_mem>>
      %dma_start3A_107 = arith.constant 0 : i32
      %dma_start3A_108 = tpu.memref_slice %arg4[%mul3A_106, %dma_start3A_107] : memref<1024x128xf32, #tpu.memory_space<hbm>> -> memref<32x128xf32, #tpu.memory_space<hbm>>
      %dma_start3A_109 = arith.constant 0 : i32
      %dma_start3A_110 = tpu.memref_slice %arg4[%mul3A_106, %dma_start3A_109] : memref<1024x128xf32, #tpu.memory_space<hbm>> -> memref<32x128xf32, #tpu.memory_space<hbm>>
      tpu.enqueue_dma source(%arg7 : memref<32x128xf32, #tpu.memory_space<vmem>>) target(%dma_start3A_110 : memref<32x128xf32, #tpu.memory_space<hbm>>) target_semaphore(%run_scoped3A : memref<!tpu.dma_semaphore, #tpu.memory_space<semaphore_mem>>)
      %dma_wait3A_111 = arith.constant 0 : i32
      %dma_wait3A_112 = tpu.memref_slice %arg4[%mul3A_106, %dma_wait3A_111] : memref<1024x128xf32, #tpu.memory_space<hbm>> -> memref<32x128xf32, #tpu.memory_space<hbm>>
      %dma_wait3A_113 = arith.constant 0 : i32
      %dma_wait3A_114 = tpu.memref_slice %arg4[%mul3A_106, %dma_wait3A_113] : memref<1024x128xf32, #tpu.memory_space<hbm>> -> memref<32x128xf32, #tpu.memory_space<hbm>>
      tpu.wait_dma2 semaphore(%run_scoped3A : memref<!tpu.dma_semaphore, #tpu.memory_space<semaphore_mem>>) src(%arg7 : memref<32x128xf32, #tpu.memory_space<vmem>>) dst(%dma_wait3A_114 : memref<32x128xf32, #tpu.memory_space<hbm>>)
      tpu.yield
    }) : () -> ()
    return
  }
}

module attributes {stable_mosaic.version = 14 : i64} {
  func.func @_fused_body(%arg0: i32, %arg1: memref<1024x128xf32, #tpu.memory_space<vmem>>, %arg2: memref<4096x128xf32, #tpu.memory_space<vmem>>, %arg3: memref<1x4096xf32, #tpu.memory_space<vmem>>, %arg4: memref<4096x128xbf16, #tpu.memory_space<vmem>>, %arg5: memref<1024x4096xbf16, #tpu.memory_space<vmem>>, %arg6: memref<1024x128xf32, #tpu.memory_space<vmem>>, %arg7: memref<1024x4096xbf16, #tpu.memory_space<vmem>>) attributes {dimension_semantics = [#tpu.dimension_semantics<arbitrary>], iteration_bounds = array<i64: 25>, scalar_prefetch = 0 : i64, scratch_operands = 1 : i64, tpu.core_type = #tpu.core_type<tc>, window_params = [{pipeline_mode = #tpu.pipeline_mode<synchronous>, transform_indices = @transform_0, window_bounds = array<i64: 1024, 128>}, {transform_indices = @transform_1, window_bounds = array<i64: 4096, 128>}, {transform_indices = @transform_2, window_bounds = array<i64: 1, 4096>}, {pipeline_mode = #tpu.pipeline_mode<synchronous>, transform_indices = @transform_3, window_bounds = array<i64: 4096, 128>}, {transform_indices = @transform_4, window_bounds = array<i64: 1024, 4096>}, {pipeline_mode = #tpu.pipeline_mode<synchronous>, transform_indices = @transform_5, window_bounds = array<i64: 1024, 128>}]} {
    %eq3A = arith.constant 0 : i32
    %eq3A_0 = arith.cmpi eq, %arg0, %eq3A : i32
    %convert_element_type3A = arith.extui %eq3A_0 : i1 to i32
    %cond3A = arith.constant 0 : i32
    %cond3A_1 = arith.cmpi ne, %convert_element_type3A, %cond3A : i32
    scf.if %cond3A_1 {
      %broadcast_in_dim3A = arith.constant 0.000000e+00 : f32
      %broadcast_in_dim3A_38 = vector.broadcast %broadcast_in_dim3A : f32 to vector<1024x128xf32>
      %swap3A_39 = arith.constant 0 : index
      %swap3A_40 = arith.constant 0 : index
      %swap3A_41 = vector.load %arg6[%swap3A_39, %swap3A_40] : memref<1024x128xf32, #tpu.memory_space<vmem>>, vector<1024x128xf32>
      tpu.vector_store %arg6[%swap3A_39, %swap3A_40], %broadcast_in_dim3A_38 {strides = array<i32>} : memref<1024x128xf32, #tpu.memory_space<vmem>>, vector<1024x128xf32>,
    } else {
    }
    %get3A = arith.constant 0 : index
    %get3A_2 = arith.constant 0 : index
    %get3A_3 = vector.load %arg1[%get3A, %get3A_2] : memref<1024x128xf32, #tpu.memory_space<vmem>>, vector<1024x128xf32>
    %get3A_4 = arith.constant 0 : index
    %get3A_5 = arith.constant 0 : index
    %get3A_6 = vector.load %arg2[%get3A_4, %get3A_5] : memref<4096x128xf32, #tpu.memory_space<vmem>>, vector<4096x128xf32>
    %dot_general3A = arith.constant dense<0.000000e+00> : vector<1024x4096xf32>
    %dot_general3A_7 = tpu.matmul %get3A_3, %get3A_6, %dot_general3A {dimension_numbers = #tpu.dot_dimension_numbers<[1], [1], [0], [0], [0, 0, 1, 0], [], []>, transpose_lhs_hint = false} : vector<1024x128xf32>, vector<4096x128xf32>, vector<1024x4096xf32> -> vector<1024x4096xf32>
    %get3A_8 = arith.constant 0 : index
    %get3A_9 = arith.constant 0 : index
    %get3A_10 = vector.load %arg3[%get3A_8, %get3A_9] : memref<1x4096xf32, #tpu.memory_space<vmem>>, vector<1x4096xf32>
    %add3A = vector.broadcast %get3A_10 : vector<1x4096xf32> to vector<1024x4096xf32>
    %add3A_11 = arith.addf %dot_general3A_7, %add3A : vector<1024x4096xf32>
    %exp3A = math.exp %add3A_11 : vector<1024x4096xf32>
    %convert_element_type3A_12 = arith.truncf %exp3A : vector<1024x4096xf32> to vector<1024x4096xbf16>
    %swap3A = arith.constant 0 : index
    %swap3A_13 = arith.constant 0 : index
    %swap3A_14 = vector.load %arg7[%swap3A, %swap3A_13] : memref<1024x4096xbf16, #tpu.memory_space<vmem>>, vector<1024x4096xbf16>
    tpu.vector_store %arg7[%swap3A, %swap3A_13], %convert_element_type3A_12 {strides = array<i32>} : memref<1024x4096xbf16, #tpu.memory_space<vmem>>, vector<1024x4096xbf16>,
    %eq3A_15 = arith.constant 24 : i32
    %eq3A_16 = arith.cmpi eq, %arg0, %eq3A_15 : i32
    %convert_element_type3A_17 = arith.extui %eq3A_16 : i1 to i32
    %cond3A_18 = arith.constant 0 : i32
    %cond3A_19 = arith.cmpi ne, %convert_element_type3A_17, %cond3A_18 : i32
    scf.if %cond3A_19 {
      %iota3A = tpu.iota {dimensions = array<i32: 1>} : vector<1024x4096xi32>
      %lt3A = arith.constant 1696 : i32
      %lt3A_38 = vector.broadcast %lt3A : i32 to vector<1024x4096xi32>
      %lt3A_39 = arith.cmpi slt, %iota3A, %lt3A_38 : vector<1024x4096xi32>
      %get3A_40 = arith.constant 0 : index
      %get3A_41 = arith.constant 0 : index
      %get3A_42 = vector.load %arg7[%get3A_40, %get3A_41] : memref<1024x4096xbf16, #tpu.memory_space<vmem>>, vector<1024x4096xbf16>
      %jit3A = arith.constant 0.000000e+00 : bf16
      %broadcast_in_dim3A = vector.broadcast %jit3A : bf16 to vector<1024x4096xbf16>
      %select_n3A = arith.select %lt3A_39, %get3A_42, %broadcast_in_dim3A : vector<1024x4096xi1>, vector<1024x4096xbf16>
      %swap3A_43 = arith.constant 0 : index
      %swap3A_44 = arith.constant 0 : index
      %swap3A_45 = vector.load %arg7[%swap3A_43, %swap3A_44] : memref<1024x4096xbf16, #tpu.memory_space<vmem>>, vector<1024x4096xbf16>
      tpu.vector_store %arg7[%swap3A_43, %swap3A_44], %select_n3A {strides = array<i32>} : memref<1024x4096xbf16, #tpu.memory_space<vmem>>, vector<1024x4096xbf16>,
    } else {
    }
    %get3A_20 = arith.constant 0 : index
    %get3A_21 = arith.constant 0 : index
    %get3A_22 = vector.load %arg7[%get3A_20, %get3A_21] : memref<1024x4096xbf16, #tpu.memory_space<vmem>>, vector<1024x4096xbf16>
    %swap3A_23 = arith.constant 0 : index
    %swap3A_24 = arith.constant 0 : index
    %swap3A_25 = vector.load %arg5[%swap3A_23, %swap3A_24] : memref<1024x4096xbf16, #tpu.memory_space<vmem>>, vector<1024x4096xbf16>
    tpu.vector_store %arg5[%swap3A_23, %swap3A_24], %get3A_22 {strides = array<i32>} : memref<1024x4096xbf16, #tpu.memory_space<vmem>>, vector<1024x4096xbf16>,
    %get3A_26 = arith.constant 0 : index
    %get3A_27 = arith.constant 0 : index
    %get3A_28 = vector.load %arg6[%get3A_26, %get3A_27] : memref<1024x128xf32, #tpu.memory_space<vmem>>, vector<1024x128xf32>
    %get3A_29 = arith.constant 0 : index
    %get3A_30 = arith.constant 0 : index
    %get3A_31 = vector.load %arg4[%get3A_29, %get3A_30] : memref<4096x128xbf16, #tpu.memory_space<vmem>>, vector<4096x128xbf16>
    %dot_general3A_32 = arith.constant dense<0.000000e+00> : vector<1024x128xf32>
    %dot_general3A_33 = tpu.matmul %get3A_22, %get3A_31, %dot_general3A_32 {dimension_numbers = #tpu.dot_dimension_numbers<[1], [0], [0], [1], [0, 0, 1, 1], [], []>, transpose_lhs_hint = false} : vector<1024x4096xbf16>, vector<4096x128xbf16>, vector<1024x128xf32> -> vector<1024x128xf32>
    %add3A_34 = arith.addf %get3A_28, %dot_general3A_33 : vector<1024x128xf32>
    %swap3A_35 = arith.constant 0 : index
    %swap3A_36 = arith.constant 0 : index
    %swap3A_37 = vector.load %arg6[%swap3A_35, %swap3A_36] : memref<1024x128xf32, #tpu.memory_space<vmem>>, vector<1024x128xf32>
    tpu.vector_store %arg6[%swap3A_35, %swap3A_36], %add3A_34 {strides = array<i32>} : memref<1024x128xf32, #tpu.memory_space<vmem>>, vector<1024x128xf32>,
    return
  }
  func.func @transform_0(%arg0: i32) -> (i32, i32) {
    %c0_i32 = arith.constant 0 : i32
    %c0_i32_0 = arith.constant 0 : i32
    %c0_i32_1 = arith.constant 0 : i32
    return %c0_i32, %c0_i32_0 : i32, i32
  }
  func.func @transform_1(%arg0: i32) -> (i32, i32) {
    %c0_i32 = arith.constant 0 : i32
    %c0_i32_0 = arith.constant 0 : i32
    return %arg0, %c0_i32 : i32, i32
  }
  func.func @transform_2(%arg0: i32) -> (i32, i32) {
    %c0_i32 = arith.constant 0 : i32
    %c0_i32_0 = arith.constant 0 : i32
    return %c0_i32, %arg0 : i32, i32
  }
  func.func @transform_3(%arg0: i32) -> (i32, i32) {
    %c0_i32 = arith.constant 0 : i32
    %c0_i32_0 = arith.constant 0 : i32
    %c0_i32_1 = arith.constant 0 : i32
    return %c0_i32, %c0_i32_0 : i32, i32
  }
  func.func @transform_4(%arg0: i32) -> (i32, i32) {
    %c0_i32 = arith.constant 0 : i32
    %c0_i32_0 = arith.constant 0 : i32
    return %c0_i32, %arg0 : i32, i32
  }
  func.func @transform_5(%arg0: i32) -> (i32, i32) {
    %c0_i32 = arith.constant 0 : i32
    %c0_i32_0 = arith.constant 0 : i32
    %c0_i32_1 = arith.constant 0 : i32
    return %c0_i32, %c0_i32_0 : i32, i32
  }
}

</mosaic_0001>

<sc_bundles>
// kernel: kernel.4.cloned.1.call-start
scs
__scs_entry_jumppad:
0x0: {  	(pc) =	sbr.rel $0x88, $3  }
0x1: {  	(tag) =	ssettag $0x0;
	lr =	simm.s32 $0x1  }
0x2: {  	[smem:$0x3F9D] =	sst lr;
	_ =	strace $0xD0000000  }
0x3: {  	_ = 	snop  }
0x4: {  	_ = 	snop  }
0x5: {  	_ = 	snop  }
0x6: {  	_ = 	snop  }
0x7: {  	_ = 	snop  }
__scs_overlays_trampoline_lowered:
0x8: {  	[smem:$0x3FAC] =	sst s0  }
0x9: {  	[smem:$0x3FAD] =	sst s1  }
0xa: {  	[smem:$0x3FAE] =	sst s2  }
0xb: {  	[smem:$0x3FAF] =	sst s3  }
0xc: {  	[smem:$0x3FB0] =	sst s4  }
0xd: {  	[smem:$0x3FB1] =	sst s5  }
0xe: {  	[smem:$0x3FB2] =	sst s6  }
0xf: {  	[smem:$0x3FB3] =	sst s7  }
0x10: {  	[smem:$0x3FB4] =	sst s8  }
0x11: {  	[smem:$0x3FB5] =	sst s9;
	s0 =	simm.s32 @!p0 $0x0  }
0x12: {  	s1 =	sld [smem:$0x3F9B];
	s0 =	simm.s32 @p0 $0x1  }
0x13: {  	[smem:$0x3FB6] =	sst s0;
	s0 =	simm.s32 @!p1 $0x0  }
0x14: {  	s2 =	sld [smem:$0x3F9A];
	s0 =	simm.s32 @p1 $0x1  }
0x15: {  	[smem:$0x3FB7] =	sst s0;
	s0 =	simm.s32 @!p2 $0x0  }
0x16: {  	s3 =	sld [smem:$0x3FDB];
	s0 =	simm.s32 @p2 $0x1  }
0x17: {  	s4 =	simm.s32 $0x1BF5;
	[smem:$0x3FB9] =	sst s0  }
0x18: {  	s0 =	sld [smem:$0x3F9C];
	_ =	swait.ge [sflag:s4], $0x0  }
0x19: {  	s7 =	sld [smem:$0x3F9D]  }
0x1a: {  	s8 =	sadd.s32 $0xFFFFE003, lr  }
0x1b: {  	s9 =	sadd.s32 $0xFFFFFEF7, lr;
	s5 =	simm.s32 $0xFFFFFFFF;
	p2 =	slt.u32 s8, $0xFFFFF086  }
0x1c: {  	p1 =	slt.u32 s9, $0xF7A;
	s5 =	simm.s32 @!p2 $0x0  }
0x1d: {  	s5 =	simm.s32 @p1 $0x1;
	p0 =	seq.s32 s7, s2  }
0x1e: {  	s7 =	smul.u32 @!p0 $0xF7A, s2;
	p2 =	seq.s32 @!p0 s5, $0x0  }
0x1f: {  	s9 =	smul.u32 $0xF7A, s1;
	s8 =	simm.s32 @!p0 $0x1BF5;
	p2 =	por !p2, p0  }
0x20: {  	[sflag:s8] =	ssyncset.s32 @!p0 $0xFFFFF086;
	s6 =	sadd.s32 @!p0 s3, s7;
	s7 =	simm.s32 @!p0 $0x108  }
0x21: {  	s3 =	sadd.s32 s3, s9;
	s6 =	sadd.s32 @!p0 $0x88, s6;
	s7 =	simm.s32 @p2 $0x1082  }
0x22: {  	[simem:s7], [sflag:s8] =	dma.local @!p0 [hbm:s6], $0xF7A  }
0x23: {  	s9 =	sor.u32 $0xD0000000, s2;
	s6 =	simm.s32 $0x108;
	_ =	swait.ge @!p0 [sflag:s8], $0x0  }
0x24: {  	s3 =	sadd.s32 $0x88, s3;
	s6 =	simm.s32 @!p1 $0x1082;
	[sflag:s4] =	ssyncset.s32 $0xFFFFF086  }
0x25: {  	[simem:s6], [sflag:s4] =	dma.local [hbm:s3], $0xF7A  }
0x26: {  	[smem:$0x3F9D] =	sst s1;
	(tag) =	ssettag s2;
	_ =	strace s9  }
0x27: {  	s1 =	sld [smem:$0x3FAD]  }
0x28: {  	s2 =	sld [smem:$0x3FAE]  }
0x29: {  	s4 =	sld [smem:$0x3FB0]  }
0x2a: {  	p0 =	seq.s32 s5, $0x0;
	s5 =	sld [smem:$0x3FB1]  }
0x2b: {  	s6 =	sld [smem:$0x3FB2]  }
0x2c: {  	s7 =	sld [smem:$0x3FB3]  }
0x2d: {  	s3 =	simm.s32 $0x108;
	s8 =	sld [smem:$0x3FB4]  }
0x2e: {  	s3 =	simm.s32 @!p0 $0x1082;
	s9 =	sld [smem:$0x3FB5]  }
0x2f: {  	lr =	sadd.s32 s0, s3;
	s0 =	sld [smem:$0x3FAC]  }
0x30: {  	s3 =	sld [smem:$0x3FAF]  }
0x31: {  	[smem:$0x3FB8] =	sst s10  }
0x32: {  	s10 =	sld [smem:$0x3FB6];
	_ =	sdelay $0x3  }
0x33: {  	p0 =	seq.s32 s10, $0x1;
	s10 =	sld [smem:$0x3FB8];
	_ =	sdelay $0x3  }
0x34: {  	[smem:$0x3FB8] =	sst s10  }
0x35: {  	s10 =	sld [smem:$0x3FB7];
	_ =	sdelay $0x3  }
0x36: {  	p1 =	seq.s32 s10, $0x1;
	s10 =	sld [smem:$0x3FB8];
	_ =	sdelay $0x3  }
0x37: {  	[smem:$0x3FB8] =	sst s10  }
0x38: {  	s10 =	sld [smem:$0x3FB9]  }
0x39: {  	_ = 	snop;
	(pc) =	sbr.ind lr, $3  }
0x3a: {  	_ = 	snop  }
0x3b: {  	_ = 	snop  }
0x3c: {  	p2 =	seq.s32 s10, $0x1;
	s10 =	sld [smem:$0x3FB8]  }
0x3d: {  	_ =	shalt  }
0x3e: {  	_ =	shalt  }
0x3f: {  	_ =	shalt  }
0x40: {  	_ =	shalt  }
0x41: {  	_ =	shalt  }
0x42: {  	_ =	shalt  }
0x43: {  	_ =	shalt  }
0x44: {  	_ =	shalt  }
0x45: {  	_ =	shalt  }
0x46: {  	_ =	shalt  }
0x47: {  	_ =	shalt  }
0x48: {  	_ =	shalt  }
0x49: {  	_ =	shalt  }
0x4a: {  	_ =	shalt  }
0x4b: {  	_ =	shalt  }
0x4c: {  	_ =	shalt  }
0x4d: {  	_ =	shalt  }
0x4e: {  	_ =	shalt  }
0x4f: {  	_ =	shalt  }
0x50: {  	_ =	shalt  }
0x51: {  	_ =	shalt  }
0x52: {  	_ =	shalt  }
0x53: {  	_ =	shalt  }
0x54: {  	_ =	shalt  }
0x55: {  	_ =	shalt  }
0x56: {  	_ =	shalt  }
0x57: {  	_ =	shalt  }
0x58: {  	_ =	shalt  }
0x59: {  	_ =	shalt  }
0x5a: {  	_ =	shalt  }
0x5b: {  	_ =	shalt  }
0x5c: {  	_ =	shalt  }
0x5d: {  	_ =	shalt  }
0x5e: {  	_ =	shalt  }
0x5f: {  	_ =	shalt  }
0x60: {  	_ =	shalt  }
0x61: {  	_ =	shalt  }
0x62: {  	_ =	shalt  }
0x63: {  	_ =	shalt  }
0x64: {  	_ =	shalt  }
0x65: {  	_ =	shalt  }
0x66: {  	_ =	shalt  }
0x67: {  	_ =	shalt  }
0x68: {  	_ =	shalt  }
0x69: {  	_ =	shalt  }
0x6a: {  	_ =	shalt  }
0x6b: {  	_ =	shalt  }
0x6c: {  	_ =	shalt  }
0x6d: {  	_ =	shalt  }
0x6e: {  	_ =	shalt  }
0x6f: {  	_ =	shalt  }
0x70: {  	_ =	shalt  }
0x71: {  	_ =	shalt  }
0x72: {  	_ =	shalt  }
0x73: {  	_ =	shalt  }
0x74: {  	_ =	shalt  }
0x75: {  	_ =	shalt  }
0x76: {  	_ =	shalt  }
0x77: {  	_ =	shalt  }
0x78: {  	_ =	shalt  }
0x79: {  	_ =	shalt  }
0x7a: {  	_ =	shalt  }
0x7b: {  	_ =	shalt  }
0x7c: {  	_ =	shalt  }
0x7d: {  	_ =	shalt  }
0x7e: {  	_ =	shalt  }
0x7f: {  	_ =	shalt  }
0x80: {  	_ =	shalt  }
0x81: {  	_ =	shalt  }
0x82: {  	_ =	shalt  }
0x83: {  	_ =	shalt  }
0x84: {  	_ =	shalt  }
0x85: {  	_ =	shalt  }
0x86: {  	_ =	shalt  }
0x87: {  	_ =	shalt  }
.Lfunc_end0:
.L_simem_size_0:
called_computation.1_lowered:
.L_overlay_start_0:
0x88: {  	s2 =	sld [smem:$0x3FD9]  }
0x89: {  	s3 =	sld [smem:$0x3FFE];
	_ =	sdelay $0x1  }
0x8a: {  	s1 =	srdreg.scid  }
0x8b: {  	s0 =	sand.u32 $0x1, s1  }
0x8c: {  	s17 =	sshll.u32 s0, $0xA;
	s2 =	sadd.s32 s3, s2  }
0x8d: {  	s2 =	sadd.s32 s2, s17  }
0x8e: {  	[smem:$0x3FC4] =	sst s2  }
0x8f: {  	_ = 	snop  }
0x90: {  	s2 =	sld [smem:$0x3FC8]  }
0x91: {  	s18 =	sld [smem:$0x3FD0];
	(tm) =	ssettm $0x1  }
0x92: {  	s4 =	sld [smem:$0x3FFB];
	_ =	sdelay $0x3  }
0x93: {  	_ =	strace s4  }
0x94: {  	s4 =	sld [smem:$0x3FFC];
	_ =	sdelay $0x3  }
0x95: {  	_ =	strace s4  }
0x96: {  	s4 =	sld [smem:$0x3FFD];
	_ =	sdelay $0x3  }
0x97: {  	_ =	strace s4  }
0x98: {  	_ =	strace $0x8FFFFFFF  }
0x99: {  	s19 =	sld [smem:$0x3FDB];
	_ =	sdelay $0x1  }
0x9a: {  	s5 =	simm.s32 $_scs_section_size  }
0x9b: {  	s6 =	simm.s32 $_size__tile_overlayer_lowered;
	s7 =	simm.s32 $_tile_overlayer_lowered  }
0x9c: {  	s22 =	simm.s32 $0x1BFF;
	s21 =	sshll.u32 s7, $0x1;
	s4 =	sadd.s32 s5, s19  }
0x9d: {  	s8 =	simm.s32 $0x0;
	s20 =	sshll.u32 s6, $0x1;
	s6 =	sadd.s32 s21, s4  }
0x9e: {  	[timem:s8], [sflag:s22] =	dma.local [hbm:s6], s20  }
0x9f: {  	_ =	swait.ge [sflag:s22], s20  }
0xa0: {  	s5 =	ssub.s32 $0x0, s20;
	[sflag:s22] =	ssyncset.done $0x0  }
0xa1: {  	[sflag:s22] =	ssyncadd.s32 s5;
	_ =	sdelay $0x1  }
0xa2: {  	s23 =	simm.s32 $0x1B8B  }
0xa3: {  	_ =	swait.ge [sflag:s23], $0x1  }
0xa4: {  	[sflag:s23] =	ssyncset.done $0x0  }
0xa5: {  	s25 =	simm.s32 $0x1B8E;
	s24 =	sld [smem:$0x3FFE];
	[sflag:s23] =	ssyncadd.s32 $0xFFFFFFFF  }
0xa6: {  	s26 =	simm.s32 $execute0_lowered;
	[smem:$0x3FD2] =	sst s25  }
0xa7: {  	s6 =	sshll.u32 s26, $0x1;
	_ =	strace $0x80000046;
	[dreg:$0x1] =	wrdreg $0xFFFFFFFF  }
0xa8: {  	s28 =	simm.s32 $_size_execute0_lowered;
	s4 =	sadd.s32 s4, s6;
	[dreg:$0x0] =	wrdreg $0x0  }
0xa9: {  	s6 =	sshll.u32 s28, $0x1;
	[dreg:$0x2] =	wrdreg s4  }
0xaa: {  	[dreg:$0x3] =	wrdreg s6  }
0xab: {  	[dreg:$0x4] =	wrdreg $0xC0  }
0xac: {  	_ =	task [dreg:s8], $0x5FFFF  }
0xad: {  	[dreg:$0x1] =	wrdreg $0xFFFFFFFF  }
0xae: {  	[dreg:$0x0] =	wrdreg $0x60  }
0xaf: {  	[dreg:$0x2] =	wrdreg s24  }
0xb0: {  	[dreg:$0x3] =	wrdreg s2  }
0xb1: {  	[dreg:$0x4] =	wrdreg s18  }
0xb2: {  	[dreg:$0x5] =	wrdreg $0x9  }
0xb3: {  	_ =	task.clear_ibuf [dreg:s8], $0x6FFFF;
	_ =	strace $0x90000046  }
0xb4: {  	s29 =	simm.s32 $0x9;
	_ =	strace $0x80000048  }
0xb5: {  	_ =	swait.ge [sflag:s29], $0x1  }
0xb6: {  	[sflag:s29] =	ssyncadd.s32 $0xFFFFFFFF  }
0xb7: {  	_ =	strace $0x90000048  }
0xb8: {  	_ =	sfence  }
0xb9: {  	s30 =	sld [smem:$0x0];
	_ =	sdelay $0x2  }
0xba: {  	s31 =	sshll.u32 s1, $0xD;
	s1 =	sshrl.u32 s1, $0x2  }
0xbb: {  	s3 =	sand.u32 $0x4000, s31;
	s1 =	sadd.s32 s1, s30  }
0xbc: {  	s0 =	sor.u32 s3, s0;
	s1 =	sshll.u32 s1, $0x11  }
0xbd: {  	s0 =	sor.u32 s1, s0  }
0xbe: {  	s0 =	sadd.s32 $0x8F2B, s0  }
0xbf: {  	[sflag:s0] =	ssyncadd.remote.s32 $0x1  }
0xc0: {  	_ =	sfence.sel $0xFFFF  }
0xc1: {  	[dreg:$0x0] =	wrdreg $0xFFFFFFFF;
	(pc) =	sbr.abs _section_cstart, $3  }
0xc2: {  	[dreg:$0x1] =	wrdreg $0xFFFFFFFF  }
0xc3: {  	_ =	task.clear_ibuf [dreg:s8], $0x2FFFF;
	_ =	strace $0x9FFFFFFF  }
0xc4: {  	(tm) =	ssettm $0x7FFFFFFF  }
0xc5: {  	_ =	shalt  }
tec
execute0_lowered:
.L_overlay_start_1:
0x0: {  	(tag) =	ssettag $0x1  }
0x1: {  	s4 =	rddreg [dreg:$0x0]  }
0x2: {  	s2 =	rddreg [dreg:$0x1];
	s1 =	srdreg.scid  }
0x3: {  	s0 =	stileid.u32;
	s5 =	rddreg [dreg:$0x2]  }
0x4: {  	s3 =	simm.s32 $0x0;
	s9 =	simm.s32 $0x400;
	s10 =	simm.s32 $0x4400  }
0x5: {  	s11 =	simm.s32 $0x100;
	s12 =	simm.s32 $0x8400;
	s13 =	simm.s32 $0x180  }
0x6: {  	s14 =	simm.s32 $0xC400;
	s15 =	simm.s32 $0x200;
	s16 =	simm.s32 $0x10400  }
0x7: {  	s17 =	simm.s32 $0x1;
	s18 =	simm.s32 $0x14400;
	s19 =	simm.s32 $0x0  }
0x8: {  	s6 =	sand.u32 $0x1, s1;
	s7 =	sshll.u32 s0, $0x1;
	s1 =	rddreg [dreg:$0x3]  }
0x9: {  	s24 =	simm.s32 $0x0;
	[smem:$0x7FF] =	sst s3;
	s7 =	sor.u32 s6, s7  }
0xa: {  	s6 =	ssub.s32 $0x2, s6;
	_ =	strace $0x80000047;
	s8 =	sshll.u32 s7, $0x7  }
0xb: {  	s31 =	sshrl.u32 s6, $0x1;
	s7 =	sshll.u32 s7, $0x9;
	s4 =	sadd.s32 s8, s4  }
0xc: {  	s6 =	ssub.s32 s6, s31;
	s5 =	sadd.s32 s5, s7;
	s7 =	simm.s32 $0x2  }
0xd: {  	s8 =	simm.s32 $0x80;
	s4 =	sadd.s32 $0x800, s4;
	s6 =	smax.u32 s6, $0x1  }
.LBB2_1:
0xe: {  	[tilespmem:s3], [sflag:$0x2] =	stream.linear.gather [hbm4b:s4+s3], $0x280, $0x38;
	[tilespmem:$0x15400] =	vst v63  }
0xf: {  	_ =	swait.ge [sflag:s7], $0x280  }
0x10: {  	[sflag:s7] =	ssyncset.done $0x0  }
0x11: {  	[sflag:s7] =	ssyncadd.s32 $0xFFFFFD80  }
0x12: {  	[tilespmem:s9], [sflag:$0x1] =	stream.indirect.gather [hbm4b:s2+s8], $0x80, s3, s8, $0xb8;
	[tilespmem:$0x15400] =	vst v63  }
0x13: {  	_ = 	snop  }
0x14: {  	[tilespmem:s10], [sflag:$0x1] =	stream.indirect.gather [hbm4b:s2+s8], $0x80, s8, s8, $0xb8;
	[tilespmem:$0x15400] =	vst v63  }
0x15: {  	_ = 	snop  }
0x16: {  	[tilespmem:s12], [sflag:$0x1] =	stream.indirect.gather [hbm4b:s2+s8], $0x80, s11, s8, $0xb8;
	[tilespmem:$0x15400] =	vst v63  }
0x17: {  	_ = 	snop  }
0x18: {  	[tilespmem:s14], [sflag:$0x1] =	stream.indirect.gather [hbm4b:s2+s8], $0x80, s13, s8, $0xb8;
	[tilespmem:$0x15400] =	vst v63  }
0x19: {  	_ = 	snop  }
0x1a: {  	[tilespmem:s16], [sflag:$0x1] =	stream.indirect.gather [hbm4b:s2+s8], $0x80, s15, s8, $0xb8;
	[tilespmem:$0x15400] =	vst v63  }
0x1b: {  	_ =	swait.ge [sflag:s17], $0x4000  }
0x1c: {  	[sflag:s17] =	ssyncset.done $0x0  }
0x1d: {  	[sflag:s17] =	ssyncadd.s32 $0xFFFFC000  }
0x1e: {  	_ =	swait.ge [sflag:s17], $0x4000  }
0x1f: {  	[sflag:s17] =	ssyncset.done $0x0  }
0x20: {  	[sflag:s17] =	ssyncadd.s32 $0xFFFFC000  }
0x21: {  	_ =	swait.ge [sflag:s17], $0x4000  }
0x22: {  	[sflag:s17] =	ssyncset.done $0x0  }
0x23: {  	[sflag:s17] =	ssyncadd.s32 $0xFFFFC000  }
0x24: {  	_ =	swait.ge [sflag:s17], $0x4000  }
0x25: {  	[sflag:s17] =	ssyncset.done $0x0  }
0x26: {  	[sflag:s17] =	ssyncadd.s32 $0xFFFFC000  }
0x27: {  	_ =	swait.ge [sflag:s17], $0x4000  }
0x28: {  	[sflag:s17] =	ssyncset.done $0x0  }
0x29: {  	s20 =	simm.s32 $0x440;
	s21 =	simm.s32 $0x0;
	[sflag:s17] =	ssyncadd.s32 $0xFFFFC000  }
.LBB2_2:
0x2a: {  	v1 =	vmov s20;
	_ =	sdelay $0x4  }
0x2b: {  	v0 =	vld.idx.msk [tilespmem:v1+s24+$0x30 ss:$0x1], $0xffff  }
0x2c: {  	v3 =	vld.idx.msk [tilespmem:v1+s24+$0xFFFFFFC0 ss:$0x1], $0xffff  }
0x2d: {  	v12 =	vld.idx.msk [tilespmem:v1+s24+$0xFFFFFFD0 ss:$0x1], $0xffff  }
0x2e: {  	v9 =	vld.idx.msk [tilespmem:v1+s24+$0xFFFFFFE0 ss:$0x1], $0xffff  }
0x2f: {  	v8 =	vld.idx.msk [tilespmem:v1+s24+$0xFFFFFFF0 ss:$0x1], $0xffff  }
0x30: {  	v7 =	vimm.f32 $0.0e+00;
	v14 =	vimm.f32 $0.0e+00;
	v4 =	vld.idx.msk [tilespmem:v1+s24+$0x0 ss:$0x1], $0xffff  }
0x31: {  	v10 =	vimm.f32 $0.0e+00;
	v13 =	vimm.f32 $0.0e+00;
	v5 =	vimm.f32 $0.0e+00;
	v2 =	vld.idx.msk [tilespmem:v1+s24+$0x10 ss:$0x1], $0xffff  }
0x32: {  	s22 =	simm.s32 $0x80;
	s23 =	simm.s32 $0x400;
	v6 =	vld.idx.msk [tilespmem:v1+s24+$0x20 ss:$0x1], $0xffff;
	v0 =	vadd.f32 v0, v7;
	v11 =	vadd.f32 v3, v7;
	v3 =	vimm.f32 $0.0e+00  }
.LBB2_3:
0x33: {  	p0 =	sne.s32 s23, $0x2600;
	v15 =	vld.idx.msk [tilespmem:v1+s22+$0x30 ss:$0x1], $0xffff;
	v7 =	vadd.f32 v12, v7  }
0x34: {  	v14 =	vadd.f32 v9, v14;
	v16 =	vld.idx.msk [tilespmem:v1+s22+$0xFFFFFFC0 ss:$0x1], $0xffff  }
0x35: {  	v10 =	vadd.f32 v8, v10;
	v12 =	vld.idx.msk [tilespmem:v1+s22+$0xFFFFFFD0 ss:$0x1], $0xffff  }
.Ltmp0:
0x36: {  	v13 =	vadd.f32 v4, v13;
	v9 =	vld.idx.msk [tilespmem:v1+s22+$0xFFFFFFE0 ss:$0x1], $0xffff;
	(pc) =	sbr.rel @p0 .LBB2_3-.Ltmp0, $4  }
0x37: {  	v5 =	vadd.f32 v2, v5;
	v8 =	vld.idx.msk [tilespmem:v1+s22+$0xFFFFFFF0 ss:$0x1], $0xffff  }
0x38: {  	v3 =	vadd.f32 v6, v3;
	v4 =	vld.idx.msk [tilespmem:v1+s22+$0x0 ss:$0x1], $0xffff  }
0x39: {  	v0 =	vadd.f32 v15, v0;
	v2 =	vld.idx.msk [tilespmem:v1+s22+$0x10 ss:$0x1], $0xffff  }
0x3a: {  	v11 =	vadd.f32 v16, v11;
	v6 =	vld.idx.msk [tilespmem:v1+s22+$0x20 ss:$0x1], $0xffff;
	s22 =	sshra.s32 s23, $0x2;
	s23 =	sadd.s32 $0x200, s23  }
0x3b: {  	_ =	sdelay $0x3  }
0x3c: {  	v15 =	vld.idx.msk [tilespmem:v1+s22+$0xFFFFFFC0 ss:$0x1], $0xffff  }
0x3d: {  	v16 =	vld.idx.msk [tilespmem:v1+s22+$0xFFFFFFD0 ss:$0x1], $0xffff  }
0x3e: {  	v17 =	vld.idx.msk [tilespmem:v1+s22+$0xFFFFFFE0 ss:$0x1], $0xffff  }
0x3f: {  	v18 =	vld.idx.msk [tilespmem:v1+s22+$0xFFFFFFF0 ss:$0x1], $0xffff  }
0x40: {  	v7 =	vadd.f32 v12, v7;
	v56 =	vld.idx.msk [tilespmem:v1+s22+$0x0 ss:$0x1], $0xffff  }
0x41: {  	v9 =	vadd.f32 v9, v14;
	v57 =	vld.idx.msk [tilespmem:v1+s22+$0x10 ss:$0x1], $0xffff;
	v11 =	vadd.f32 v15, v11  }
0x42: {  	v59 =	vld.idx.msk [tilespmem:v1+s22+$0x30 ss:$0x1], $0xffff;
	v8 =	vadd.f32 v8, v10;
	v7 =	vadd.f32 v16, v7  }
0x43: {  	v58 =	vld.idx.msk [tilespmem:v1+s22+$0x20 ss:$0x1], $0xffff;
	s31 =	sshll.u32 s21, $0x7;
	v4 =	vadd.f32 v4, v13;
	v9 =	vadd.f32 v17, v9;
	v11 =	vmul.f32 $5.000000070e-02, v11  }
0x44: {  	s22 =	sand.u32 $0x3FFFFF80, s31;
	v2 =	vadd.f32 v2, v5;
	v60 =	vadd.f32 v18, v8;
	v7 =	vmul.f32 $5.000000070e-02, v7  }
0x45: {  	v4 =	vadd.f32 v56, v4;
	v61 =	vmul.f32 $5.000000070e-02, v9;
	[tilespmem:s22+$0x14400] =	vst v11  }
0x46: {  	s21 =	sadd.s32 $0x1, s21;
	v3 =	vadd.f32 v6, v3;
	v2 =	vadd.f32 v57, v2;
	v5 =	vmul.f32 $5.000000070e-02, v60;
	[tilespmem:s22+$0x14410] =	vst v7  }
0x47: {  	p0 =	sne.s32 s21, $0x20;
	v0 =	vadd.f32 v59, v0;
	v4 =	vmul.f32 $5.000000070e-02, v4;
	[tilespmem:s22+$0x14420] =	vst v61  }
.Ltmp1:
0x48: {  	v3 =	vadd.f32 v58, v3;
	v62 =	vmul.f32 $5.000000070e-02, v2;
	[tilespmem:s22+$0x14430] =	vst v5;
	(pc) =	sbr.rel @p0 .LBB2_2-.Ltmp1, $4  }
0x49: {  	v0 =	vmul.f32 $5.000000070e-02, v0;
	[tilespmem:s22+$0x14440] =	vst v4  }
0x4a: {  	v63 =	vmul.f32 $5.000000070e-02, v3;
	[tilespmem:s22+$0x14450] =	vst v62  }
0x4b: {  	[tilespmem:s22+$0x14470] =	vst v0  }
0x4c: {  	s20 =	sadd.s32 $0xA00, s20;
	[tilespmem:s22+$0x14460] =	vst v63  }
0x4d: {  	s19 =	sadd.s32 $0x1, s19  }
0x4e: {  	p0 =	sne.s32 s19, s6  }
.Ltmp2:
0x4f: {  	_ = 	snop;
	(pc) =	sbr.rel @p0 .LBB2_1-.Ltmp2, $4  }
0x50: {  	[hbm4b:s5+s3] =	stream.linear.scatter [tilespmem:s18], [sflag:$0x2], $0x1000, $0x38;
	[tilespmem:$0x15400] =	vst v63  }
0x51: {  	_ =	swait.ge [sflag:s7], $0x1000  }
0x52: {  	[sflag:s7] =	ssyncset.done $0x0  }
0x53: {  	[sflag:s7] =	ssyncadd.s32 $0xFFFFF000  }
0x54: {  	_ =	sfence.sel $0x180000  }
0x55: {  	[bflag:$0x0] =	sbarrier.arrive $0xFFFF  }
0x56: {  	p0 =	sne.s32 s0, $0x0;
	_ =	strace $0x90000047  }
0x57: {  	s0 =	sadd.s32 @!p0 $0x100000, s1;
	[bflag:$0x2] =	sbarrier.arrive $0xFFFF  }
0x58: {  	[sflag:s0] =	ssyncadd.tile.s32 @!p0 $0x1;
	_ =	shalt  }
.Lfunc_end2:
_tile_overlayer_lowered:
.L_overlay_start_2:
0x59: {  	(tag) =	ssettag $0x2  }
0x5a: {  	s0 =	rddreg [dreg:$0x0];
	s2 =	stileid.u32  }
0x5b: {  	s1 =	rddreg [dreg:$0x1];
	p0 =	sne.s32 s2, $0x0  }
0x5c: {  	s3 =	rddreg [dreg:$0x2];
	[bflag:$0x3] =	sbarrier.arrive $0xFFFF;
	s2 =	simm.s32 @!p0 $0x1C02  }
0x5d: {  	[timem:s3], [sflag:s2] =	dma.local @!p0 [hbm:s0], s1  }
0x5e: {  	s0 =	simm.s32 @!p0 $0x2  }
0x5f: {  	_ =	swait.ge @!p0 [sflag:s0], s1  }
0x60: {  	s1 =	ssub.s32 @!p0 $0x0, s1;
	[sflag:s0] =	ssyncset.done @!p0 $0x0  }
0x61: {  	[sflag:s0] =	ssyncadd.s32 @!p0 s1  }
0x62: {  	[bflag:$0x3] =	sbarrier.arrive $0xFFFF  }
0x63: {  	_ =	shalt  }

// kernel: sparse-core-data-format-call.cloned.1.call-start
scs
called_computation_lowered:
.L_overlay_start_0:
0x0: {  	s2 =	sld [smem:$0x3FD9]  }
0x1: {  	s3 =	sld [smem:$0x3FFE];
	_ =	sdelay $0x1  }
0x2: {  	s1 =	srdreg.scid  }
0x3: {  	s0 =	sand.u32 $0x1, s1  }
0x4: {  	s18 =	sshll.u32 s0, $0xA;
	s2 =	sadd.s32 s3, s2  }
0x5: {  	s2 =	sadd.s32 s2, s18  }
0x6: {  	[smem:$0x3FC4] =	sst s2  }
0x7: {  	_ = 	snop  }
0x8: {  	s2 =	sld [smem:$0x3FD0];
	(tm) =	ssettm $0x1  }
0x9: {  	s19 =	sld [smem:$0x3FFB];
	_ =	sdelay $0x3  }
0xa: {  	_ =	strace s19  }
0xb: {  	s3 =	sld [smem:$0x3FFC];
	_ =	sdelay $0x3  }
0xc: {  	_ =	strace s3  }
0xd: {  	s3 =	sld [smem:$0x3FFD];
	_ =	sdelay $0x3  }
0xe: {  	_ =	strace s3  }
0xf: {  	_ =	strace $0x8FFFFFFF  }
0x10: {  	s20 =	sld [smem:$0x3FDB];
	_ =	sdelay $0x1  }
0x11: {  	s4 =	simm.s32 $_scs_section_size  }
0x12: {  	s5 =	simm.s32 $_size__tile_overlayer_lowered;
	s6 =	simm.s32 $_tile_overlayer_lowered  }
0x13: {  	s23 =	simm.s32 $0x1BFF;
	s22 =	sshll.u32 s6, $0x1;
	s3 =	sadd.s32 s4, s20  }
0x14: {  	s7 =	simm.s32 $0x0;
	s21 =	sshll.u32 s5, $0x1;
	s5 =	sadd.s32 s22, s3  }
0x15: {  	[timem:s7], [sflag:s23] =	dma.local [hbm:s5], s21  }
0x16: {  	_ =	swait.ge [sflag:s23], s21  }
0x17: {  	s4 =	ssub.s32 $0x0, s21;
	[sflag:s23] =	ssyncset.done $0x0  }
0x18: {  	[sflag:s23] =	ssyncadd.s32 s4;
	_ =	sdelay $0x1  }
0x19: {  	s24 =	simm.s32 $0x1B8B  }
0x1a: {  	_ =	swait.ge [sflag:s24], $0x1  }
0x1b: {  	[sflag:s24] =	ssyncset.done $0x0  }
0x1c: {  	s26 =	simm.s32 $0x1B8E;
	s25 =	sld [smem:$0x3FFE];
	[sflag:s24] =	ssyncadd.s32 $0xFFFFFFFF  }
0x1d: {  	s27 =	simm.s32 $execute0_lowered;
	[smem:$0x3FD2] =	sst s26  }
0x1e: {  	s5 =	sshll.u32 s27, $0x1;
	_ =	strace $0x80000049;
	[dreg:$0x1] =	wrdreg $0xFFFFFFFF  }
0x1f: {  	s28 =	simm.s32 $_size_execute0_lowered;
	s3 =	sadd.s32 s3, s5;
	[dreg:$0x0] =	wrdreg $0x0  }
0x20: {  	s5 =	sshll.u32 s28, $0x1;
	[dreg:$0x2] =	wrdreg s3  }
0x21: {  	[dreg:$0x3] =	wrdreg s5  }
0x22: {  	[dreg:$0x4] =	wrdreg $0xC0  }
0x23: {  	_ =	task [dreg:s7], $0x5FFFF  }
0x24: {  	[dreg:$0x1] =	wrdreg $0xFFFFFFFF  }
0x25: {  	[dreg:$0x0] =	wrdreg $0x60  }
0x26: {  	[dreg:$0x2] =	wrdreg s25  }
0x27: {  	[dreg:$0x3] =	wrdreg s2  }
0x28: {  	[dreg:$0x4] =	wrdreg $0x9  }
0x29: {  	_ =	task.clear_ibuf [dreg:s7], $0x5FFFF;
	_ =	strace $0x90000049  }
0x2a: {  	s29 =	simm.s32 $0x9;
	_ =	strace $0x8000004B  }
0x2b: {  	_ =	swait.ge [sflag:s29], $0x1  }
0x2c: {  	[sflag:s29] =	ssyncadd.s32 $0xFFFFFFFF  }
0x2d: {  	_ =	strace $0x9000004B  }
0x2e: {  	_ =	sfence  }
0x2f: {  	s30 =	sld [smem:$0x0];
	_ =	sdelay $0x2  }
0x30: {  	s31 =	sshll.u32 s1, $0xD;
	s1 =	sshrl.u32 s1, $0x2  }
0x31: {  	s3 =	sand.u32 $0x4000, s31;
	s1 =	sadd.s32 s1, s30  }
0x32: {  	s0 =	sor.u32 s3, s0;
	s1 =	sshll.u32 s1, $0x11  }
0x33: {  	s0 =	sor.u32 s1, s0  }
0x34: {  	s0 =	sadd.s32 $0x8F2B, s0  }
0x35: {  	[sflag:s0] =	ssyncadd.remote.s32 $0x1  }
0x36: {  	_ =	sfence.sel $0xFFFF  }
0x37: {  	[dreg:$0x0] =	wrdreg $0xFFFFFFFF;
	(pc) =	sbr.abs _section_cstart, $3  }
0x38: {  	[dreg:$0x1] =	wrdreg $0xFFFFFFFF  }
0x39: {  	_ =	task.clear_ibuf [dreg:s7], $0x2FFFF;
	_ =	strace $0x9FFFFFFF  }
0x3a: {  	(tm) =	ssettm $0x7FFFFFFF  }
0x3b: {  	_ =	shalt  }
tec
execute0_lowered:
.L_overlay_start_1:
0x0: {  	(tag) =	ssettag $0x1  }
0x1: {  	s0 =	stileid.u32  }
0x2: {  	s2 =	srdreg.scid;
	s7 =	rddreg [dreg:$0x0]  }
0x3: {  	s6 =	simm.s32 $0x1;
	s31 =	simm.s32 $0x2;
	s16 =	simm.s32 $0x0  }
0x4: {  	s9 =	simm.s32 $0x2000;
	s15 =	simm.s32 $0x0;
	s10 =	simm.s32 $0x0  }
0x5: {  	s11 =	simm.s32 $0x0;
	s14 =	simm.s32 $0x0;
	s1 =	sshll.u32 s0, $0x7  }
0x6: {  	s3 =	sshll.u32 s0, $0x4;
	s2 =	sshll.u32 s2, $0x8;
	s1 =	sand.u32 $0x380, s1  }
0x7: {  	s7 =	sadd.s32 $0x800, s7;
	s2 =	sor.u32 s3, s2;
	s5 =	ssub.s32 $0x400, s1  }
0x8: {  	s3 =	rddreg [dreg:$0x1];
	s4 =	sand.u32 $0x180, s2;
	s29 =	sand.u32 $0x380, s5  }
0x9: {  	s30 =	ssub.s32 $0x18680, s4;
	s5 =	sshrl.u32 s5, $0xA;
	p0 =	sne.s32 s29, $0x0  }
.Ltmp0:
0xa: {  	s8 =	sshrl.u32 s30, $0x9;
	s6 =	simm.s32 @!p0 $0x0;
	(pc) =	sbr.rel .LBB1_1-.Ltmp0, $4  }
0xb: {  	s2 =	rddreg [dreg:$0x2];
	s8 =	sadd.s32 $0x1, s8;
	s6 =	sadd.s32 s6, s5  }
0xc: {  	_ =	strace $0x8000004A;
	s5 =	simm.s32 $0x1;
	s6 =	smul.u32 s6, s8  }
0xd: {  	s13 =	smov.u32 s1;
	s12 =	smov.u32 s4;
	[sflag:s5] =	ssyncpa.u1 $0x0  }
0xe: {  	p0 =	por $0x0, $0x0;
	[sflag:s31] =	ssyncpa.u1 $0x0;
	s8 =	sadd.s32 $0x1, s6  }
.LBB1_4:
0xf: {  	s21 =	sshra.s32 s21, $0x2;
	s27 =	sshll.u32 s10, $0xA;
	s22 =	sshll.u32 s11, $0x3  }
0x10: {  	s23 =	sshll.u32 s10, $0x7;
	s24 =	sand.u32 $0x78, s11;
	p1 =	sgt.s32 s10, $0x18620  }
0x11: {  	s25 =	sshra.s32 s10, $0x1F;
	s26 =	sshra.s32 s11, $0x1F;
	s20 =	sadd.s32 s21, s20  }
0x12: {  	v5 =	vld [tilespmem:s18+$0xFFFFFFD0];
	[tilespmem:s19+$0x2040 ss:$0x81] =	vst.msk $0xffff, v4;
	s21 =	sand.u32 $0xFFFFE000, s27;
	s22 =	sand.u32 $0xFFFFFC00, s22;
	s28 =	sand.u32 $0x380, s23  }
0x13: {  	v58 =	vld [tilespmem:s18+$0xFFFFFFE0];
	[tilespmem:s19+$0x2850 ss:$0x81] =	vst.msk $0xffff, v3;
	s23 =	smov.u32 s10;
	s30 =	sand.u32 s25, s10;
	s25 =	smov.u32 s11  }
0x14: {  	v59 =	vld [tilespmem:s18+$0xFFFFFFF0];
	[tilespmem:s19+$0x3060 ss:$0x81] =	vst.msk $0xffff, v2;
	s31 =	sand.u32 s26, s11;
	s21 =	sadd.s32 s22, s21;
	s22 =	sor.u32 s24, s28  }
0x15: {  	v60 =	vld [tilespmem:s18+$0x0];
	[tilespmem:s19+$0x0 ss:$0x81] =	vst.msk $0xffff, v1;
	s23 =	simm.s32 @!p1 $0x18620;
	p1 =	sgt.s32 s11, $0x380;
	s21 =	sshrl.u32 s21, $0xA  }
0x16: {  	v61 =	vld [tilespmem:s18+$0x10];
	[tilespmem:s20+$0x3870 ss:$0x81] =	vst.msk $0xffff, v0;
	s19 =	ssub.s32 s23, s30;
	s25 =	simm.s32 @!p1 $0x380;
	s29 =	smulhi.u32 $0x53E2D7, s21  }
0x17: {  	v62 =	vld [tilespmem:s18+$0x20];
	s23 =	ssub.s32 s25, s31;
	s26 =	sadd.s32 $0xFFFE79E0, s19;
	s19 =	ssub.s32 $0x186A0, s19;
	[tilespmem:s20+$0x810 ss:$0x81] =	vst.msk $0xffff, v5  }
0x18: {  	v63 =	vld [tilespmem:s18+$0xFFFFFFC0];
	[tilespmem:s20+$0x1020 ss:$0x81] =	vst.msk $0xffff, v58;
	p1 =	sgt.s32 s26, $0x7F;
	s28 =	sadd.s32 $0xFFFFFC80, s23;
	s24 =	sshrl.u32 s29, $0x7  }
0x19: {  	[tilespmem:s20+$0x1830 ss:$0x81] =	vst.msk $0xffff, v59;
	s23 =	ssub.s32 $0x400, s23;
	p2 =	sgt.s32 s28, $0x7F;
	s27 =	smul.u32 $0x186A0, s24  }
0x1a: {  	s30 =	sand.u32 $0x7, s11;
	[tilespmem:s20+$0x2040 ss:$0x81] =	vst.msk $0xffff, v60;
	s19 =	simm.s32 @p1 $0x0;
	s23 =	simm.s32 @p2 $0x0  }
0x1b: {  	[tilespmem:s20+$0x2850 ss:$0x81] =	vst.msk $0xffff, v61;
	s29 =	sshrl.u32 s22, $0x3;
	s19 =	smul.u32 s23, s19;
	s18 =	ssub.s32 s21, s27  }
0x1c: {  	[tilespmem:s20+$0x3060 ss:$0x81] =	vst.msk $0xffff, v62;
	s22 =	sshll.u32 s30, $0x12;
	s21 =	sadd.s32 s3, s29;
	s18 =	sshll.u32 s18, $0x7  }
0x1d: {  	[tilespmem:s20+$0x0 ss:$0x81] =	vst.msk $0xffff, v63;
	s31 =	sor.u32 $0x400, s22;
	s19 =	sand.u32 $0x3FFFFFFF, s19;
	s18 =	sadd.s32 s18, s21  }
0x1e: {  	[hbm4b:s18+s31] =	stream.strided.scatter [tilespmem:s17], [sflag:$0x2], s19, s9, s31, $0x20;
	[tilespmem:$0x10100] =	vst v63  }
.LBB1_5:
0x1f: {  	p1 =	slt.u32 s14, $0x2  }
0x20: {  	s18 =	smov.u32 s16;
	p2 =	sgt.s32 @!p1 s16, $0x18620;
	s17 =	sshra.s32 @!p1 s16, $0x1F  }
0x21: {  	p3 =	sgt.s32 @!p1 s15, $0x380;
	s19 =	sshra.s32 @!p1 s15, $0x1F;
	p2 =	por !p2, p1  }
0x22: {  	s16 =	sand.u32 @!p1 s17, s16;
	p3 =	por !p3, p1;
	s17 =	smov.u32 s15  }
0x23: {  	s15 =	sand.u32 @!p1 s19, s15;
	s18 =	simm.s32 @p2 $0x18620;
	s17 =	simm.s32 @p3 $0x380  }
0x24: {  	s16 =	ssub.s32 @!p1 s18, s16;
	s15 =	ssub.s32 @!p1 s17, s15  }
0x25: {  	s19 =	smov.u32 s13;
	s17 =	sadd.s32 @!p1 $0xFFFE79E0, s16;
	s18 =	sadd.s32 @!p1 $0xFFFFFC80, s15  }
0x26: {  	s16 =	ssub.s32 @!p1 $0x186A0, s16;
	p2 =	sgt.s32 @!p1 s17, $0x7F;
	p3 =	sgt.s32 @!p1 s18, $0x7F  }
0x27: {  	s15 =	ssub.s32 @!p1 $0x400, s15;
	p2 =	por !p2, p1;
	p3 =	por !p3, p1  }
0x28: {  	s17 =	sadd.s32 $0x200, s12;
	s16 =	simm.s32 @!p2 $0x0;
	s15 =	simm.s32 @!p3 $0x0  }
0x29: {  	p2 =	sgt.s32 s17, $0x1869F;
	s15 =	smul.u32 @!p1 s15, s16;
	s16 =	sadd.s32 $0x400, s13  }
0x2a: {  	s19 =	smov.u32 @p2 s16  }
0x2b: {  	s17 =	smov.u32 @p2 s4;
	p2 =	sgt.s32 s19, $0x3FF  }
0x2c: {  	s19 =	smov.u32 @p2 s1;
	p2 =	sne.s32 s14, s8  }
.Ltmp1:
0x2d: {  	p0 =	por !p0, !p0;
	s18 =	simm.s32 @!p1 $0x2;
	(pc) =	sbr.rel @!p2 .LBB1_6-.Ltmp1, $4  }
0x2e: {  	s16 =	smov.u32 s10;
	s10 =	smov.u32 s12;
	s15 =	sand.u32 @!p1 $0x3FFFFFFF, s15  }
0x2f: {  	s12 =	smov.u32 s17;
	_ =	swait.ge @!p1 [sflag:s18], s15;
	s20 =	ssub.s32 @!p1 $0x0, s15  }
0x30: {  	s15 =	smov.u32 s11;
	s14 =	sadd.s32 $0x1, s14;
	[sflag:s18] =	ssyncset.done @!p1 $0x0  }
0x31: {  	s11 =	smov.u32 s13;
	s13 =	smov.u32 s19;
	[sflag:s18] =	ssyncadd.s32 @!p1 s20  }
.LBB1_1:
0x32: {  	p1 =	sge.u32 s14, s6  }
0x33: {  	s17 =	sshrl.u32 @!p1 s13, $0x3  }
0x34: {  	s18 =	sshll.u32 @!p1 s12, $0x3;
	s17 =	smul.u32 @!p1 $0xC3800, s17  }
0x35: {  	s19 =	sshll.u32 @!p1 s13, $0x7;
	s18 =	sand.u32 @!p1 $0xFFFFFC00, s18  }
0x36: {  	s17 =	sadd.s32 @!p1 s17, s18;
	s18 =	sand.u32 @!p1 $0x380, s19  }
0x37: {  	s19 =	sand.u32 @!p1 $0x7F, s12;
	s17 =	sor.u32 @!p1 s18, s17  }
0x38: {  	s18 =	sor.u32 @!p1 s19, s17  }
0x39: {  	s19 =	smulhi.u32 @!p1 $0xA79C7B17, s18;
	_ =	sdelay $0x1  }
0x3a: {  	s17 =	smulhi.u32 @!p1 $0xA79C7B17, s17;
	s19 =	sshrl.u32 @!p1 s19, $0x10  }
0x3b: {  	s19 =	smul.u32 @!p1 $0x18700, s19  }
0x3c: {  	s31 =	sadd.s32 $0xFFFFFFFF, s14;
	s20 =	sxor.u32 @!p1 $0xFFFFFFFF, s14;
	s17 =	sshrl.u32 @!p1 s17, $0x10  }
0x3d: {  	s20 =	sshll.u32 @!p1 s20, $0xE;
	s17 =	sand.u32 @!p1 $0x3FF, s17;
	s18 =	ssub.s32 @!p1 s18, s19  }
0x3e: {  	s17 =	smul.u32 @!p1 $0x30E0, s17;
	s19 =	sshrl.u32 @!p1 s18, $0x3;
	s18 =	sand.u32 @!p1 $0x7, s18  }
0x3f: {  	s20 =	sand.u32 @!p1 $0x4000, s20;
	s19 =	sadd.s32 @!p1 s7, s19;
	s18 =	sshll.u32 @!p1 s18, $0x12  }
0x40: {  	s17 =	sadd.s32 @!p1 s17, s19;
	s18 =	sor.u32 @!p1 $0x400, s18;
	s19 =	simm.s32 @!p1 $0xC3800  }
0x41: {  	[tilespmem:s20], [sflag:$0x1] =	stream.strided.gather @!p1 [hbm4b:s17+s18], $0x4000, s19, s18, $0x38;
	[tilespmem:$0x10100] =	vst v63  }
0x42: {  	p1 =	sge.u32 s31, s6  }
.Ltmp2:
0x43: {  	_ = 	snop;
	(pc) =	sbr.rel @p1 .LBB1_5-.Ltmp2, $1  }
0x44: {  	_ =	sdelay $0x3  }
0x45: {  	s17 =	simm.s32 $0x1  }
0x46: {  	_ =	swait.ge [sflag:s5], $0x4000;
	s17 =	simm.s32 @!p0 $0x0  }
0x47: {  	[sflag:s5] =	ssyncset.done $0x0;
	s18 =	sshll.u32 s17, $0xE  }
0x48: {  	[sflag:s5] =	ssyncadd.s32 $0xFFFFC000;
	s18 =	sor.u32 $0x40, s18  }
0x49: {  	s17 =	smul.u32 $0x10200, s17;
	v0 =	vld [tilespmem:s18+$0x30]  }
0x4a: {  	v1 =	vld [tilespmem:s18+$0xFFFFFFD0]  }
0x4b: {  	s17 =	sshrl.u32 s17, $0x2;
	v5 =	vld [tilespmem:s18+$0xFFFFFFE0]  }
0x4c: {  	v6 =	vld [tilespmem:s18+$0xFFFFFFF0];
	s20 =	sor.u32 $0x8000, s17  }
0x4d: {  	s31 =	sand.u32 $0x1, s14;
	v4 =	vld [tilespmem:s18+$0x0];
	s19 =	sadd.s32 $0x0, s20  }
0x4e: {  	v3 =	vld [tilespmem:s18+$0x10];
	s17 =	smul.u32 $0x10200, s31;
	[tilespmem:s19+$0x3870 ss:$0x81] =	vst.msk $0xffff, v0  }
0x4f: {  	v2 =	vld [tilespmem:s18+$0x20];
	[tilespmem:s19+$0x810 ss:$0x81] =	vst.msk $0xffff, v1  }
0x50: {  	s17 =	sshrl.u32 s17, $0x2;
	v1 =	vld [tilespmem:s18+$0xFFFFFFC0];
	[tilespmem:s19+$0x1020 ss:$0x81] =	vst.msk $0xffff, v5;
	s18 =	sadd.s32 $0x80, s18  }
0x51: {  	s21 =	simm.s32 $0x4;
	s22 =	simm.s32 $0x8;
	s17 =	sor.u32 $0x8000, s17;
	[tilespmem:s19+$0x1830 ss:$0x81] =	vst.msk $0xffff, v6;
	v0 =	vld [tilespmem:s18+$0x30]  }
.LBB1_3:
0x52: {  	p1 =	sne.s32 s22, $0x1FC;
	v5 =	vld [tilespmem:s18+$0xFFFFFFD0];
	[tilespmem:s19+$0x2040 ss:$0x81] =	vst.msk $0xffff, v4  }
0x53: {  	v6 =	vld [tilespmem:s18+$0xFFFFFFE0];
	[tilespmem:s19+$0x2850 ss:$0x81] =	vst.msk $0xffff, v3  }
0x54: {  	s23 =	sshra.s32 s21, $0x2;
	s21 =	smov.u32 s22;
	v7 =	vld [tilespmem:s18+$0xFFFFFFF0];
	[tilespmem:s19+$0x3060 ss:$0x81] =	vst.msk $0xffff, v2  }
.Ltmp3:
0x55: {  	v4 =	vld [tilespmem:s18+$0x0];
	[tilespmem:s19+$0x0 ss:$0x81] =	vst.msk $0xffff, v1;
	s19 =	sadd.s32 s23, s20;
	(pc) =	sbr.rel @p1 .LBB1_3-.Ltmp3, $4  }
0x56: {  	v3 =	vld [tilespmem:s18+$0x10];
	[tilespmem:s19+$0x3870 ss:$0x81] =	vst.msk $0xffff, v0  }
0x57: {  	[tilespmem:s19+$0x810 ss:$0x81] =	vst.msk $0xffff, v5;
	v2 =	vld [tilespmem:s18+$0x20]  }
0x58: {  	v1 =	vld [tilespmem:s18+$0xFFFFFFC0];
	[tilespmem:s19+$0x1020 ss:$0x81] =	vst.msk $0xffff, v6;
	s18 =	sadd.s32 $0x80, s18  }
0x59: {  	s22 =	sadd.s32 $0x4, s22;
	v0 =	vld [tilespmem:s18+$0x30];
	[tilespmem:s19+$0x1830 ss:$0x81] =	vst.msk $0xffff, v7  }
.Ltmp4:
0x5a: {  	_ = 	snop;
	(pc) =	sbr.rel .LBB1_4-.Ltmp4, $1  }
0x5b: {  	_ =	sdelay $0x3  }
.LBB1_6:
0x5c: {  	_ =	sfence.sel $0x180000  }
0x5d: {  	s1 =	simm.s32 $0x1;
	[bflag:$0x0] =	sbarrier.arrive $0xFFFF  }
0x5e: {  	s31 =	simm.s32 $0x2;
	[sflag:s1] =	ssyncpa.u1 $0x1  }
0x5f: {  	[sflag:s31] =	ssyncpa.u1 $0x1  }
0x60: {  	p0 =	sne.s32 s0, $0x0;
	_ =	strace $0x9000004A  }
0x61: {  	s0 =	sadd.s32 @!p0 $0x100000, s2;
	[bflag:$0x2] =	sbarrier.arrive $0xFFFF  }
0x62: {  	[sflag:s0] =	ssyncadd.tile.s32 @!p0 $0x1;
	_ =	shalt  }
.Lfunc_end1:
_tile_overlayer_lowered:
.L_overlay_start_2:
0x63: {  	(tag) =	ssettag $0x2  }
0x64: {  	s0 =	rddreg [dreg:$0x0];
	s2 =	stileid.u32  }
0x65: {  	s1 =	rddreg [dreg:$0x1];
	p0 =	sne.s32 s2, $0x0  }
0x66: {  	s3 =	rddreg [dreg:$0x2];
	[bflag:$0x3] =	sbarrier.arrive $0xFFFF;
	s2 =	simm.s32 @!p0 $0x1C01  }
0x67: {  	[timem:s3], [sflag:s2] =	dma.local @!p0 [hbm:s0], s1  }
0x68: {  	s0 =	simm.s32 @!p0 $0x1  }
0x69: {  	_ =	swait.ge @!p0 [sflag:s0], s1  }
0x6a: {  	s1 =	ssub.s32 @!p0 $0x0, s1;
	[sflag:s0] =	ssyncset.done @!p0 $0x0  }
0x6b: {  	[sflag:s0] =	ssyncadd.s32 @!p0 s1  }
0x6c: {  	[bflag:$0x3] =	sbarrier.arrive $0xFFFF  }
0x6d: {  	_ =	shalt  }

</sc_bundles>
